<compile_context>
chip_gen: v7x
topology: tpu7x:2x2x1
jax: 0.10.2.dev20260603
libtpu: 0.0.44.dev20260713+nightly
codegen_flags: <defaults>
</compile_context>

<pallas_src>
import jax
import jax.numpy as jnp
from jax import lax
from jax.experimental import pallas as pl
from jax.experimental.pallas import tpu as pltpu
from jax.experimental.pallas import tpu_sc as plsc

NC = 2
NS = 16
NW = NC * NS
L = 16

B, H, W = 8, 384, 384
N = B * H * W
PIX_PER_W = N // NW
CHUNK = 9216
NCHUNK = PIX_PER_W // CHUNK
STEPS = CHUNK // L


def _sc_partials_kernel(ch_hbm, af_hbm, cm_hbm, am_hbm, part_hbm,
                        gb0, gb1, hb0, hb1, cb0, cb1, ab0, ab1, vec16,
                        sem0, sem1):
    wid = lax.axis_index("s") * NC + lax.axis_index("c")
    base_pix = wid * PIX_PER_W

    gbufs = (gb0, gb1)
    hbufs = (hb0, hb1)
    cbufs = (cb0, cb1)
    abufs = (ab0, ab1)
    sems = (sem0, sem1)

    def issue(c, b):
        pix0 = base_pix + c * CHUNK
        return (
            pltpu.async_copy(ch_hbm.at[pl.ds(pix0, CHUNK)], gbufs[b], sems[b]),
            pltpu.async_copy(af_hbm.at[pl.ds(pix0, CHUNK)], hbufs[b], sems[b]),
            pltpu.async_copy(cm_hbm.at[pl.ds(pix0, CHUNK)], cbufs[b], sems[b]),
            pltpu.async_copy(am_hbm.at[pl.ds(pix0, CHUNK)], abufs[b], sems[b]),
        )

    iota = lax.iota(jnp.int32, L)
    zero = jnp.zeros((L,), jnp.float32)
    zeroi = jnp.zeros((L,), jnp.int32)

    def chunk_body(gb, hb, cb, ab, accs):
        def step(i, accs):
            (psc, nsc, cpc, cnc, psa, nsa, cpa, cna) = accs
            g_c = gb[pl.ds(i * L, L)]
            g_a = hb[pl.ds(i * L, L)]
            t_c = cb[pl.ds(i * L, L)]
            t_a = ab[pl.ds(i * L, L)]

            d_c = g_c - t_c
            l_c = d_c * d_c
            pos_c = t_c >= 0.1
            neg_c = t_c <= 0.0
            psc = psc + jnp.where(pos_c, l_c, zero)
            nsc = nsc + jnp.where(neg_c, l_c, zero)
            cpc = cpc + plsc.all_reduce_population_count(pos_c)
            cnc = cnc + plsc.all_reduce_population_count(neg_c)

            d_a = g_a - t_a
            l_a = d_a * d_a
            pos_a = t_a >= 0.1
            neg_a = t_a <= 0.0
            psa = psa + jnp.where(pos_a, l_a, zero)
            nsa = nsa + jnp.where(neg_a, l_a, zero)
            cpa = cpa + plsc.all_reduce_population_count(pos_a)
            cna = cna + plsc.all_reduce_population_count(neg_a)
            return (psc, nsc, cpc, cnc, psa, nsa, cpa, cna)

        return lax.fori_loop(0, STEPS, step, accs)

    accs = (zero, zero, zeroi, zeroi, zero, zero, zeroi, zeroi)
    inflight = issue(0, 0)
    for c in range(NCHUNK):
        b = c % 2
        for cp in inflight:
            cp.wait()
        if c + 1 < NCHUNK:
            inflight = issue(c + 1, 1 - b)
        accs = chunk_body(gbufs[b], hbufs[b], cbufs[b], abufs[b], accs)

    packed = zero
    for j, acc in enumerate(accs):
        if acc.dtype == jnp.int32:
            s = acc[0].astype(jnp.float32)
        else:
            s = jnp.sum(acc)
        packed = jnp.where(iota == j, s, packed)
    vec16[...] = packed
    pltpu.sync_copy(vec16, part_hbm.at[wid])


def _sc_finalize_kernel(part_hbm, stats_hbm, buf, vec16):
    wid = lax.axis_index("s") * NC + lax.axis_index("c")

    @pl.when(wid == 0)
    def _():
        pltpu.sync_copy(part_hbm, buf)
        tot = jnp.zeros((L,), jnp.float32)
        for i in range(NW):
            tot = tot + buf[i]
        cpc, cnc = tot[2], tot[3]
        cpa, cna = tot[6], tot[7]

        iota = lax.iota(jnp.int32, L)
        kcap_c = jnp.maximum(jnp.float32(1000.0), 3.0 * cpc)
        kcap_a = jnp.maximum(jnp.float32(1000.0), 3.0 * cpa)
        flag_c = jnp.where(kcap_c >= cnc, jnp.float32(1.0), jnp.float32(0.0))
        flag_a = jnp.where(kcap_a >= cna, jnp.float32(1.0), jnp.float32(0.0))

        outv = jnp.zeros((L,), jnp.float32)
        outv = jnp.where(iota == 0, flag_c, outv)
        outv = jnp.where(iota == 1, flag_a, outv)
        for j in range(8):
            outv = jnp.where(iota == j + 2, tot[j], outv)
        vec16[...] = outv
        pltpu.sync_copy(vec16, stats_hbm)


def _make_sc_partials():
    mesh = plsc.VectorSubcoreMesh(core_axis_name="c", subcore_axis_name="s")
    return pl.kernel(
        _sc_partials_kernel,
        out_type=jax.ShapeDtypeStruct((NW, L), jnp.float32),
        mesh=mesh,
        compiler_params=pltpu.CompilerParams(needs_layout_passes=False),
        scratch_types=(
            [pltpu.VMEM((CHUNK,), jnp.float32) for _ in range(8)]
            + [pltpu.VMEM((L,), jnp.float32),
               pltpu.SemaphoreType.DMA,
               pltpu.SemaphoreType.DMA]
        ),
    )


def _make_sc_finalize():
    mesh = plsc.VectorSubcoreMesh(core_axis_name="c", subcore_axis_name="s")
    return pl.kernel(
        _sc_finalize_kernel,
        out_type=jax.ShapeDtypeStruct((L,), jnp.float32),
        mesh=mesh,
        compiler_params=pltpu.CompilerParams(needs_layout_passes=False),
        scratch_types=[
            pltpu.VMEM((NW, L), jnp.float32),
            pltpu.VMEM((L,), jnp.float32),
        ],
    )



_R, _C = 1152, 1024


def _topk_sum_kernel(pred_ref, targ_ref, k_ref, out_ref, enc_ref):
    p = pred_ref[...]
    t = targ_ref[...]
    d = p - t
    l = d * d
    neg = t <= 0.0
    bits = lax.bitcast_convert_type(l, jnp.int32)
    enc = jnp.where(neg, bits + 1, 0)
    enc_ref[...] = enc
    k = k_ref[0]

    def body(i, thr):
        cand = thr | (jnp.int32(1) << (30 - i))
        cnt = jnp.sum((enc_ref[...] >= cand).astype(jnp.int32))
        return jnp.where(cnt >= k, cand, thr)

    thr = lax.fori_loop(0, 31, body, jnp.int32(0))
    enc2 = enc_ref[...]
    above = enc2 >= thr + 1
    cnt_gt = jnp.sum(above.astype(jnp.int32))
    vals = lax.bitcast_convert_type(enc2 - 1, jnp.float32)
    sum_gt = jnp.sum(jnp.where(above, vals, 0.0))
    tval = lax.bitcast_convert_type(thr - 1, jnp.float32)
    sel = sum_gt + (k - cnt_gt).astype(jnp.float32) * tval
    out_ref[0] = jnp.where(k > 0, sel, jnp.float32(0.0))


def _topk_sum(pred2d, targ2d, k_i32):
    call = pl.pallas_call(
        _topk_sum_kernel,
        out_shape=jax.ShapeDtypeStruct((1,), jnp.float32),
        in_specs=[
            pl.BlockSpec(memory_space=pltpu.VMEM),
            pl.BlockSpec(memory_space=pltpu.VMEM),
            pl.BlockSpec(memory_space=pltpu.SMEM),
        ],
        out_specs=pl.BlockSpec(memory_space=pltpu.SMEM),
        scratch_shapes=[pltpu.VMEM((_R, _C), jnp.int32)],
    )
    return call(pred2d, targ2d, k_i32.reshape(1))[0]


def kernel(output, character_map, affinity_map):
    ch = output[..., 0].reshape(-1)
    af = output[..., 1].reshape(-1)
    cm = character_map.reshape(-1)
    am = affinity_map.reshape(-1)

    partials = _make_sc_partials()(ch, af, cm, am)
    stats = _make_sc_finalize()(partials)

    flag_c, flag_a = stats[0], stats[1]
    psc, nsc, npc, nnc = stats[2], stats[3], stats[4], stats[5]
    psa, nsa, npa, nna = stats[6], stats[7], stats[8], stats[9]

    def case_a(_):
        loss_c = (psc + nsc) / (npc + nnc)
        loss_a = (psa + nsa) / (npa + nna)
        return loss_c * 2 + loss_a

    def case_b(_):
        kc = jnp.minimum(jnp.maximum(jnp.float32(1000.0), 3.0 * npc), nnc)
        ka = jnp.minimum(jnp.maximum(jnp.float32(1000.0), 3.0 * npa), nna)
        pred_c = output[..., 0].reshape(_R, _C)
        pred_a = output[..., 1].reshape(_R, _C)
        tc = character_map.reshape(_R, _C)
        ta = affinity_map.reshape(_R, _C)
        sel_c = _topk_sum(pred_c, tc, kc.astype(jnp.int32))
        sel_a = _topk_sum(pred_a, ta, ka.astype(jnp.int32))
        loss_c = (psc + sel_c) / (npc + kc)
        loss_a = (psa + sel_a) / (npa + ka)
        return loss_c * 2 + loss_a

    both_a = jnp.logical_and(flag_c > 0.5, flag_a > 0.5)
    return lax.cond(both_a, case_a, case_b, operand=None)

# --- scband reference (transcript-rebuilt; emitter-appended) ---
"""Pipeline reference for scband-ohemloss-55473797595138 (READ-ONLY COPY).

The authoritative reference and input builder live on the scoring server;
editing this copy changes nothing except your own understanding.
"""

import jax, jax.numpy as jnp
import numpy as np


def setup_inputs(seed: int = 0) -> dict:
    key = jax.random.key(seed)
    k1, k2, k3 = jax.random.split(key, 3)
    output = jax.random.normal(k1, (8, 384, 384, 2), dtype=jnp.float32)
    character_map = jax.random.normal(k2, (8, 384, 384), dtype=jnp.float32)
    affinity_map = jax.random.normal(k3, (8, 384, 384), dtype=jnp.float32)
    return {"output": output, "character_map": character_map, "affinity_map": affinity_map}


def _hard_negative_mining(pred, target):
    # Faithful to torch: selection indices come from detached values,
    # losses are gathered and summed from the live tensors.
    all_loss = (pred - target) ** 2  # mse_loss reduction='none'
    pos_mask = target >= 0.1
    neg_mask = target <= 0.0
    num_pos = jnp.sum(pos_mask).astype(jnp.int32)
    num_neg = jnp.sum(neg_mask).astype(jnp.int32)
    positive_loss_sum = jnp.sum(jnp.where(pos_mask, all_loss, 0.0))
    neg_vals = jnp.where(neg_mask, all_loss, -jnp.inf)
    sorted_desc = -jnp.sort(-neg_vals)
    k = jnp.minimum(jnp.maximum(jnp.int32(1000), 3 * num_pos), num_neg)
    idx = jnp.arange(sorted_desc.shape[0], dtype=jnp.int32)
    sel_neg_loss_sum = jnp.sum(jnp.where(idx < k, sorted_desc, 0.0))
    denom = (num_pos + k).astype(all_loss.dtype)
    return (positive_loss_sum + sel_neg_loss_sum) / denom


def reference(output, character_map, affinity_map):
    b, h, w, c = output.shape
    out = output.reshape(b * h * w, c)
    character = out[:, 0]
    affinity = out[:, 1]
    cm = character_map.reshape(b * h * w)
    am = affinity_map.reshape(b * h * w)
    loss_character = _hard_negative_mining(character, cm)
    loss_affinity = _hard_negative_mining(affinity, am)
    all_loss = loss_character * 2 + loss_affinity
    return all_loss

if __name__ == "__main__":
    import jax
    _d = setup_inputs()
    print(jax.jit(kernel)(*tuple(_d.values())))

</pallas_src>

<mosaic_0001>
#map = affine_map<(d0, d1) -> (0)>
#map1 = affine_map<(d0, d1) -> (0, 0)>
module attributes {stable_mosaic.version = 14 : i64} {
  func.func @_sc_partials_kernel(%arg0: i32, %arg1: i32, %arg2: memref<1179648xf32, #tpu.memory_space<hbm>>, %arg3: memref<1179648xf32, #tpu.memory_space<hbm>>, %arg4: memref<1179648xf32, #tpu.memory_space<hbm>>, %arg5: memref<1179648xf32, #tpu.memory_space<hbm>>, %arg6: memref<32x16xf32, #tpu.memory_space<hbm>>, %arg7: memref<9216xf32, #tpu.memory_space<vmem>>, %arg8: memref<9216xf32, #tpu.memory_space<vmem>>, %arg9: memref<9216xf32, #tpu.memory_space<vmem>>, %arg10: memref<9216xf32, #tpu.memory_space<vmem>>, %arg11: memref<9216xf32, #tpu.memory_space<vmem>>, %arg12: memref<9216xf32, #tpu.memory_space<vmem>>, %arg13: memref<9216xf32, #tpu.memory_space<vmem>>, %arg14: memref<9216xf32, #tpu.memory_space<vmem>>, %arg15: memref<16xf32, #tpu.memory_space<vmem>>, %arg16: memref<!tpu.dma_semaphore, #tpu.memory_space<semaphore_mem>>, %arg17: memref<!tpu.dma_semaphore, #tpu.memory_space<semaphore_mem>>) attributes {dimension_semantics = [#tpu.dimension_semantics<core_parallel>, #tpu.dimension_semantics<subcore_parallel>], iteration_bounds = array<i64: 2, 16>, scalar_prefetch = 0 : i64, scratch_operands = 11 : i64, tpu.core_type = #tpu.core_type<sc_vector_subcore>, window_params = [{transform_indices = #map}, {transform_indices = #map}, {transform_indices = #map}, {transform_indices = #map}, {transform_indices = #map1}]} {
    %mul3A = arith.constant 2 : i32
    %mul3A_0 = arith.muli %arg1, %mul3A : i32
    %add3A = arith.addi %mul3A_0, %arg0 : i32
    %mul3A_1 = arith.constant 36864 : i32
    %mul3A_2 = arith.muli %add3A, %mul3A_1 : i32
    %iota3A = tpu.iota {dimensions = array<i32: 0>} : vector<16xi32>
    %broadcast_in_dim3A = arith.constant 0.000000e+00 : f32
    %broadcast_in_dim3A_3 = vector.broadcast %broadcast_in_dim3A : f32 to vector<16xf32>
    %broadcast_in_dim3A_4 = arith.constant 0 : i32
    %broadcast_in_dim3A_5 = vector.broadcast %broadcast_in_dim3A_4 : i32 to vector<16xi32>
    %add3A_6 = arith.constant 0 : i32
    %add3A_7 = arith.addi %mul3A_2, %add3A_6 : i32
    %dma_start3A = tpu.memref_slice %arg2[%add3A_7] : memref<1179648xf32, #tpu.memory_space<hbm>> -> memref<9216xf32, #tpu.memory_space<hbm>>
    %dma_start3A_8 = tpu.memref_slice %arg2[%add3A_7] : memref<1179648xf32, #tpu.memory_space<hbm>> -> memref<9216xf32, #tpu.memory_space<hbm>>
    tpu.enqueue_dma source(%dma_start3A_8 : memref<9216xf32, #tpu.memory_space<hbm>>) target(%arg7 : memref<9216xf32, #tpu.memory_space<vmem>>) target_semaphore(%arg16 : memref<!tpu.dma_semaphore, #tpu.memory_space<semaphore_mem>>)
    %dma_start3A_9 = tpu.memref_slice %arg3[%add3A_7] : memref<1179648xf32, #tpu.memory_space<hbm>> -> memref<9216xf32, #tpu.memory_space<hbm>>
    %dma_start3A_10 = tpu.memref_slice %arg3[%add3A_7] : memref<1179648xf32, #tpu.memory_space<hbm>> -> memref<9216xf32, #tpu.memory_space<hbm>>
    tpu.enqueue_dma source(%dma_start3A_10 : memref<9216xf32, #tpu.memory_space<hbm>>) target(%arg9 : memref<9216xf32, #tpu.memory_space<vmem>>) target_semaphore(%arg16 : memref<!tpu.dma_semaphore, #tpu.memory_space<semaphore_mem>>)
    %dma_start3A_11 = tpu.memref_slice %arg4[%add3A_7] : memref<1179648xf32, #tpu.memory_space<hbm>> -> memref<9216xf32, #tpu.memory_space<hbm>>
    %dma_start3A_12 = tpu.memref_slice %arg4[%add3A_7] : memref<1179648xf32, #tpu.memory_space<hbm>> -> memref<9216xf32, #tpu.memory_space<hbm>>
    tpu.enqueue_dma source(%dma_start3A_12 : memref<9216xf32, #tpu.memory_space<hbm>>) target(%arg11 : memref<9216xf32, #tpu.memory_space<vmem>>) target_semaphore(%arg16 : memref<!tpu.dma_semaphore, #tpu.memory_space<semaphore_mem>>)
    %dma_start3A_13 = tpu.memref_slice %arg5[%add3A_7] : memref<1179648xf32, #tpu.memory_space<hbm>> -> memref<9216xf32, #tpu.memory_space<hbm>>
    %dma_start3A_14 = tpu.memref_slice %arg5[%add3A_7] : memref<1179648xf32, #tpu.memory_space<hbm>> -> memref<9216xf32, #tpu.memory_space<hbm>>
    tpu.enqueue_dma source(%dma_start3A_14 : memref<9216xf32, #tpu.memory_space<hbm>>) target(%arg13 : memref<9216xf32, #tpu.memory_space<vmem>>) target_semaphore(%arg16 : memref<!tpu.dma_semaphore, #tpu.memory_space<semaphore_mem>>)
    %dma_wait3A = tpu.memref_slice %arg2[%add3A_7] : memref<1179648xf32, #tpu.memory_space<hbm>> -> memref<9216xf32, #tpu.memory_space<hbm>>
    %dma_wait3A_15 = tpu.memref_slice %arg2[%add3A_7] : memref<1179648xf32, #tpu.memory_space<hbm>> -> memref<9216xf32, #tpu.memory_space<hbm>>
    tpu.wait_dma2 semaphore(%arg16 : memref<!tpu.dma_semaphore, #tpu.memory_space<semaphore_mem>>) src(%dma_wait3A_15 : memref<9216xf32, #tpu.memory_space<hbm>>) dst(%arg7 : memref<9216xf32, #tpu.memory_space<vmem>>)
    %dma_wait3A_16 = tpu.memref_slice %arg3[%add3A_7] : memref<1179648xf32, #tpu.memory_space<hbm>> -> memref<9216xf32, #tpu.memory_space<hbm>>
    %dma_wait3A_17 = tpu.memref_slice %arg3[%add3A_7] : memref<1179648xf32, #tpu.memory_space<hbm>> -> memref<9216xf32, #tpu.memory_space<hbm>>
    tpu.wait_dma2 semaphore(%arg16 : memref<!tpu.dma_semaphore, #tpu.memory_space<semaphore_mem>>) src(%dma_wait3A_17 : memref<9216xf32, #tpu.memory_space<hbm>>) dst(%arg9 : memref<9216xf32, #tpu.memory_space<vmem>>)
    %dma_wait3A_18 = tpu.memref_slice %arg4[%add3A_7] : memref<1179648xf32, #tpu.memory_space<hbm>> -> memref<9216xf32, #tpu.memory_space<hbm>>
    %dma_wait3A_19 = tpu.memref_slice %arg4[%add3A_7] : memref<1179648xf32, #tpu.memory_space<hbm>> -> memref<9216xf32, #tpu.memory_space<hbm>>
    tpu.wait_dma2 semaphore(%arg16 : memref<!tpu.dma_semaphore, #tpu.memory_space<semaphore_mem>>) src(%dma_wait3A_19 : memref<9216xf32, #tpu.memory_space<hbm>>) dst(%arg11 : memref<9216xf32, #tpu.memory_space<vmem>>)
    %dma_wait3A_20 = tpu.memref_slice %arg5[%add3A_7] : memref<1179648xf32, #tpu.memory_space<hbm>> -> memref<9216xf32, #tpu.memory_space<hbm>>
    %dma_wait3A_21 = tpu.memref_slice %arg5[%add3A_7] : memref<1179648xf32, #tpu.memory_space<hbm>> -> memref<9216xf32, #tpu.memory_space<hbm>>
    tpu.wait_dma2 semaphore(%arg16 : memref<!tpu.dma_semaphore, #tpu.memory_space<semaphore_mem>>) src(%dma_wait3A_21 : memref<9216xf32, #tpu.memory_space<hbm>>) dst(%arg13 : memref<9216xf32, #tpu.memory_space<vmem>>)
    %add3A_22 = arith.constant 9216 : i32
    %add3A_23 = arith.addi %mul3A_2, %add3A_22 : i32
    %dma_start3A_24 = tpu.memref_slice %arg2[%add3A_23] : memref<1179648xf32, #tpu.memory_space<hbm>> -> memref<9216xf32, #tpu.memory_space<hbm>>
    %dma_start3A_25 = tpu.memref_slice %arg2[%add3A_23] : memref<1179648xf32, #tpu.memory_space<hbm>> -> memref<9216xf32, #tpu.memory_space<hbm>>
    tpu.enqueue_dma source(%dma_start3A_25 : memref<9216xf32, #tpu.memory_space<hbm>>) target(%arg8 : memref<9216xf32, #tpu.memory_space<vmem>>) target_semaphore(%arg17 : memref<!tpu.dma_semaphore, #tpu.memory_space<semaphore_mem>>)
    %dma_start3A_26 = tpu.memref_slice %arg3[%add3A_23] : memref<1179648xf32, #tpu.memory_space<hbm>> -> memref<9216xf32, #tpu.memory_space<hbm>>
    %dma_start3A_27 = tpu.memref_slice %arg3[%add3A_23] : memref<1179648xf32, #tpu.memory_space<hbm>> -> memref<9216xf32, #tpu.memory_space<hbm>>
    tpu.enqueue_dma source(%dma_start3A_27 : memref<9216xf32, #tpu.memory_space<hbm>>) target(%arg10 : memref<9216xf32, #tpu.memory_space<vmem>>) target_semaphore(%arg17 : memref<!tpu.dma_semaphore, #tpu.memory_space<semaphore_mem>>)
    %dma_start3A_28 = tpu.memref_slice %arg4[%add3A_23] : memref<1179648xf32, #tpu.memory_space<hbm>> -> memref<9216xf32, #tpu.memory_space<hbm>>
    %dma_start3A_29 = tpu.memref_slice %arg4[%add3A_23] : memref<1179648xf32, #tpu.memory_space<hbm>> -> memref<9216xf32, #tpu.memory_space<hbm>>
    tpu.enqueue_dma source(%dma_start3A_29 : memref<9216xf32, #tpu.memory_space<hbm>>) target(%arg12 : memref<9216xf32, #tpu.memory_space<vmem>>) target_semaphore(%arg17 : memref<!tpu.dma_semaphore, #tpu.memory_space<semaphore_mem>>)
    %dma_start3A_30 = tpu.memref_slice %arg5[%add3A_23] : memref<1179648xf32, #tpu.memory_space<hbm>> -> memref<9216xf32, #tpu.memory_space<hbm>>
    %dma_start3A_31 = tpu.memref_slice %arg5[%add3A_23] : memref<1179648xf32, #tpu.memory_space<hbm>> -> memref<9216xf32, #tpu.memory_space<hbm>>
    tpu.enqueue_dma source(%dma_start3A_31 : memref<9216xf32, #tpu.memory_space<hbm>>) target(%arg14 : memref<9216xf32, #tpu.memory_space<vmem>>) target_semaphore(%arg17 : memref<!tpu.dma_semaphore, #tpu.memory_space<semaphore_mem>>)
    %scan3A = arith.constant 0 : i32
    %scan3A_32 = arith.constant 576 : i32
    %scan3A_33 = arith.addi %scan3A, %scan3A_32 : i32
    %scan3A_34 = arith.constant 1 : i32
    %scan3A_35:8 = scf.for %scan3A_162 = %scan3A to %scan3A_33 step %scan3A_34 iter_args(%scan3A_163 = %broadcast_in_dim3A_3, %scan3A_164 = %broadcast_in_dim3A_3, %scan3A_165 = %broadcast_in_dim3A_5, %scan3A_166 = %broadcast_in_dim3A_5, %scan3A_167 = %broadcast_in_dim3A_3, %scan3A_168 = %broadcast_in_dim3A_3, %scan3A_169 = %broadcast_in_dim3A_5, %scan3A_170 = %broadcast_in_dim3A_5) -> (vector<16xf32>, vector<16xf32>, vector<16xi32>, vector<16xi32>, vector<16xf32>, vector<16xf32>, vector<16xi32>, vector<16xi32>)  : i32 {
      %mul3A_171 = arith.constant 16 : i32
      %mul3A_172 = arith.muli %scan3A_162, %mul3A_171 : i32
      %get3A = arith.index_cast %mul3A_172 : i32 to index
      %get3A_173 = tpu.vector_load %arg7[%get3A] {strides = array<i32>} : memref<9216xf32, #tpu.memory_space<vmem>>, vector<16xf32>,
      %mul3A_174 = arith.constant 16 : i32
      %mul3A_175 = arith.muli %scan3A_162, %mul3A_174 : i32
      %get3A_176 = arith.index_cast %mul3A_175 : i32 to index
      %get3A_177 = tpu.vector_load %arg9[%get3A_176] {strides = array<i32>} : memref<9216xf32, #tpu.memory_space<vmem>>, vector<16xf32>,
      %mul3A_178 = arith.constant 16 : i32
      %mul3A_179 = arith.muli %scan3A_162, %mul3A_178 : i32
      %get3A_180 = arith.index_cast %mul3A_179 : i32 to index
      %get3A_181 = tpu.vector_load %arg11[%get3A_180] {strides = array<i32>} : memref<9216xf32, #tpu.memory_space<vmem>>, vector<16xf32>,
      %mul3A_182 = arith.constant 16 : i32
      %mul3A_183 = arith.muli %scan3A_162, %mul3A_182 : i32
      %get3A_184 = arith.index_cast %mul3A_183 : i32 to index
      %get3A_185 = tpu.vector_load %arg13[%get3A_184] {strides = array<i32>} : memref<9216xf32, #tpu.memory_space<vmem>>, vector<16xf32>,
      %sub3A = arith.subf %get3A_173, %get3A_181 : vector<16xf32>
      %mul3A_186 = arith.mulf %sub3A, %sub3A : vector<16xf32>
      %ge3A = arith.constant 1.000000e-01 : f32
      %ge3A_187 = vector.broadcast %ge3A : f32 to vector<16xf32>
      %ge3A_188 = arith.cmpf oge, %get3A_181, %ge3A_187 : vector<16xf32>
      %le3A = arith.constant 0.000000e+00 : f32
      %le3A_189 = vector.broadcast %le3A : f32 to vector<16xf32>
      %le3A_190 = arith.cmpf ole, %get3A_181, %le3A_189 : vector<16xf32>
      %select_n3A_191 = arith.select %ge3A_188, %mul3A_186, %broadcast_in_dim3A_3 : vector<16xi1>, vector<16xf32>
      %add3A_192 = arith.addf %scan3A_163, %select_n3A_191 : vector<16xf32>
      %select_n3A_193 = arith.select %le3A_190, %mul3A_186, %broadcast_in_dim3A_3 : vector<16xi1>, vector<16xf32>
      %add3A_194 = arith.addf %scan3A_164, %select_n3A_193 : vector<16xf32>
      %all_reduce_population_count3A = tpu.all_reduce %ge3A_188 {dim = 0 : i64, kind = #tpu.reduction_kind<sum>} : vector<16xi1> -> vector<16xi32>
      %add3A_195 = arith.addi %scan3A_165, %all_reduce_population_count3A : vector<16xi32>
      %all_reduce_population_count3A_196 = tpu.all_reduce %le3A_190 {dim = 0 : i64, kind = #tpu.reduction_kind<sum>} : vector<16xi1> -> vector<16xi32>
      %add3A_197 = arith.addi %scan3A_166, %all_reduce_population_count3A_196 : vector<16xi32>
      %sub3A_198 = arith.subf %get3A_177, %get3A_185 : vector<16xf32>
      %mul3A_199 = arith.mulf %sub3A_198, %sub3A_198 : vector<16xf32>
      %ge3A_200 = arith.constant 1.000000e-01 : f32
      %ge3A_201 = vector.broadcast %ge3A_200 : f32 to vector<16xf32>
      %ge3A_202 = arith.cmpf oge, %get3A_185, %ge3A_201 : vector<16xf32>
      %le3A_203 = arith.constant 0.000000e+00 : f32
      %le3A_204 = vector.broadcast %le3A_203 : f32 to vector<16xf32>
      %le3A_205 = arith.cmpf ole, %get3A_185, %le3A_204 : vector<16xf32>
      %select_n3A_206 = arith.select %ge3A_202, %mul3A_199, %broadcast_in_dim3A_3 : vector<16xi1>, vector<16xf32>
      %add3A_207 = arith.addf %scan3A_167, %select_n3A_206 : vector<16xf32>
      %select_n3A_208 = arith.select %le3A_205, %mul3A_199, %broadcast_in_dim3A_3 : vector<16xi1>, vector<16xf32>
      %add3A_209 = arith.addf %scan3A_168, %select_n3A_208 : vector<16xf32>
      %all_reduce_population_count3A_210 = tpu.all_reduce %ge3A_202 {dim = 0 : i64, kind = #tpu.reduction_kind<sum>} : vector<16xi1> -> vector<16xi32>
      %add3A_211 = arith.addi %scan3A_169, %all_reduce_population_count3A_210 : vector<16xi32>
      %all_reduce_population_count3A_212 = tpu.all_reduce %le3A_205 {dim = 0 : i64, kind = #tpu.reduction_kind<sum>} : vector<16xi1> -> vector<16xi32>
      %add3A_213 = arith.addi %scan3A_170, %all_reduce_population_count3A_212 : vector<16xi32>
      scf.yield %add3A_192, %add3A_194, %add3A_195, %add3A_197, %add3A_207, %add3A_209, %add3A_211, %add3A_213 : vector<16xf32>, vector<16xf32>, vector<16xi32>, vector<16xi32>, vector<16xf32>, vector<16xf32>, vector<16xi32>, vector<16xi32>
    }
    %scan3A_36 = arith.constant 576 : i32
    %dma_wait3A_37 = tpu.memref_slice %arg2[%add3A_23] : memref<1179648xf32, #tpu.memory_space<hbm>> -> memref<9216xf32, #tpu.memory_space<hbm>>
    %dma_wait3A_38 = tpu.memref_slice %arg2[%add3A_23] : memref<1179648xf32, #tpu.memory_space<hbm>> -> memref<9216xf32, #tpu.memory_space<hbm>>
    tpu.wait_dma2 semaphore(%arg17 : memref<!tpu.dma_semaphore, #tpu.memory_space<semaphore_mem>>) src(%dma_wait3A_38 : memref<9216xf32, #tpu.memory_space<hbm>>) dst(%arg8 : memref<9216xf32, #tpu.memory_space<vmem>>)
    %dma_wait3A_39 = tpu.memref_slice %arg3[%add3A_23] : memref<1179648xf32, #tpu.memory_space<hbm>> -> memref<9216xf32, #tpu.memory_space<hbm>>
    %dma_wait3A_40 = tpu.memref_slice %arg3[%add3A_23] : memref<1179648xf32, #tpu.memory_space<hbm>> -> memref<9216xf32, #tpu.memory_space<hbm>>
    tpu.wait_dma2 semaphore(%arg17 : memref<!tpu.dma_semaphore, #tpu.memory_space<semaphore_mem>>) src(%dma_wait3A_40 : memref<9216xf32, #tpu.memory_space<hbm>>) dst(%arg10 : memref<9216xf32, #tpu.memory_space<vmem>>)
    %dma_wait3A_41 = tpu.memref_slice %arg4[%add3A_23] : memref<1179648xf32, #tpu.memory_space<hbm>> -> memref<9216xf32, #tpu.memory_space<hbm>>
    %dma_wait3A_42 = tpu.memref_slice %arg4[%add3A_23] : memref<1179648xf32, #tpu.memory_space<hbm>> -> memref<9216xf32, #tpu.memory_space<hbm>>
    tpu.wait_dma2 semaphore(%arg17 : memref<!tpu.dma_semaphore, #tpu.memory_space<semaphore_mem>>) src(%dma_wait3A_42 : memref<9216xf32, #tpu.memory_space<hbm>>) dst(%arg12 : memref<9216xf32, #tpu.memory_space<vmem>>)
    %dma_wait3A_43 = tpu.memref_slice %arg5[%add3A_23] : memref<1179648xf32, #tpu.memory_space<hbm>> -> memref<9216xf32, #tpu.memory_space<hbm>>
    %dma_wait3A_44 = tpu.memref_slice %arg5[%add3A_23] : memref<1179648xf32, #tpu.memory_space<hbm>> -> memref<9216xf32, #tpu.memory_space<hbm>>
    tpu.wait_dma2 semaphore(%arg17 : memref<!tpu.dma_semaphore, #tpu.memory_space<semaphore_mem>>) src(%dma_wait3A_44 : memref<9216xf32, #tpu.memory_space<hbm>>) dst(%arg14 : memref<9216xf32, #tpu.memory_space<vmem>>)
    %add3A_45 = arith.constant 18432 : i32
    %add3A_46 = arith.addi %mul3A_2, %add3A_45 : i32
    %dma_start3A_47 = tpu.memref_slice %arg2[%add3A_46] : memref<1179648xf32, #tpu.memory_space<hbm>> -> memref<9216xf32, #tpu.memory_space<hbm>>
    %dma_start3A_48 = tpu.memref_slice %arg2[%add3A_46] : memref<1179648xf32, #tpu.memory_space<hbm>> -> memref<9216xf32, #tpu.memory_space<hbm>>
    tpu.enqueue_dma source(%dma_start3A_48 : memref<9216xf32, #tpu.memory_space<hbm>>) target(%arg7 : memref<9216xf32, #tpu.memory_space<vmem>>) target_semaphore(%arg16 : memref<!tpu.dma_semaphore, #tpu.memory_space<semaphore_mem>>)
    %dma_start3A_49 = tpu.memref_slice %arg3[%add3A_46] : memref<1179648xf32, #tpu.memory_space<hbm>> -> memref<9216xf32, #tpu.memory_space<hbm>>
    %dma_start3A_50 = tpu.memref_slice %arg3[%add3A_46] : memref<1179648xf32, #tpu.memory_space<hbm>> -> memref<9216xf32, #tpu.memory_space<hbm>>
    tpu.enqueue_dma source(%dma_start3A_50 : memref<9216xf32, #tpu.memory_space<hbm>>) target(%arg9 : memref<9216xf32, #tpu.memory_space<vmem>>) target_semaphore(%arg16 : memref<!tpu.dma_semaphore, #tpu.memory_space<semaphore_mem>>)
    %dma_start3A_51 = tpu.memref_slice %arg4[%add3A_46] : memref<1179648xf32, #tpu.memory_space<hbm>> -> memref<9216xf32, #tpu.memory_space<hbm>>
    %dma_start3A_52 = tpu.memref_slice %arg4[%add3A_46] : memref<1179648xf32, #tpu.memory_space<hbm>> -> memref<9216xf32, #tpu.memory_space<hbm>>
    tpu.enqueue_dma source(%dma_start3A_52 : memref<9216xf32, #tpu.memory_space<hbm>>) target(%arg11 : memref<9216xf32, #tpu.memory_space<vmem>>) target_semaphore(%arg16 : memref<!tpu.dma_semaphore, #tpu.memory_space<semaphore_mem>>)
    %dma_start3A_53 = tpu.memref_slice %arg5[%add3A_46] : memref<1179648xf32, #tpu.memory_space<hbm>> -> memref<9216xf32, #tpu.memory_space<hbm>>
    %dma_start3A_54 = tpu.memref_slice %arg5[%add3A_46] : memref<1179648xf32, #tpu.memory_space<hbm>> -> memref<9216xf32, #tpu.memory_space<hbm>>
    tpu.enqueue_dma source(%dma_start3A_54 : memref<9216xf32, #tpu.memory_space<hbm>>) target(%arg13 : memref<9216xf32, #tpu.memory_space<vmem>>) target_semaphore(%arg16 : memref<!tpu.dma_semaphore, #tpu.memory_space<semaphore_mem>>)
    %scan3A_55 = arith.constant 0 : i32
    %scan3A_56 = arith.constant 576 : i32
    %scan3A_57 = arith.addi %scan3A_55, %scan3A_56 : i32
    %scan3A_58 = arith.constant 1 : i32
    %scan3A_59:8 = scf.for %scan3A_162 = %scan3A_55 to %scan3A_57 step %scan3A_58 iter_args(%scan3A_163 = %scan3A_35#0, %scan3A_164 = %scan3A_35#1, %scan3A_165 = %scan3A_35#2, %scan3A_166 = %scan3A_35#3, %scan3A_167 = %scan3A_35#4, %scan3A_168 = %scan3A_35#5, %scan3A_169 = %scan3A_35#6, %scan3A_170 = %scan3A_35#7) -> (vector<16xf32>, vector<16xf32>, vector<16xi32>, vector<16xi32>, vector<16xf32>, vector<16xf32>, vector<16xi32>, vector<16xi32>)  : i32 {
      %mul3A_171 = arith.constant 16 : i32
      %mul3A_172 = arith.muli %scan3A_162, %mul3A_171 : i32
      %get3A = arith.index_cast %mul3A_172 : i32 to index
      %get3A_173 = tpu.vector_load %arg8[%get3A] {strides = array<i32>} : memref<9216xf32, #tpu.memory_space<vmem>>, vector<16xf32>,
      %mul3A_174 = arith.constant 16 : i32
      %mul3A_175 = arith.muli %scan3A_162, %mul3A_174 : i32
      %get3A_176 = arith.index_cast %mul3A_175 : i32 to index
      %get3A_177 = tpu.vector_load %arg10[%get3A_176] {strides = array<i32>} : memref<9216xf32, #tpu.memory_space<vmem>>, vector<16xf32>,
      %mul3A_178 = arith.constant 16 : i32
      %mul3A_179 = arith.muli %scan3A_162, %mul3A_178 : i32
      %get3A_180 = arith.index_cast %mul3A_179 : i32 to index
      %get3A_181 = tpu.vector_load %arg12[%get3A_180] {strides = array<i32>} : memref<9216xf32, #tpu.memory_space<vmem>>, vector<16xf32>,
      %mul3A_182 = arith.constant 16 : i32
      %mul3A_183 = arith.muli %scan3A_162, %mul3A_182 : i32
      %get3A_184 = arith.index_cast %mul3A_183 : i32 to index
      %get3A_185 = tpu.vector_load %arg14[%get3A_184] {strides = array<i32>} : memref<9216xf32, #tpu.memory_space<vmem>>, vector<16xf32>,
      %sub3A = arith.subf %get3A_173, %get3A_181 : vector<16xf32>
      %mul3A_186 = arith.mulf %sub3A, %sub3A : vector<16xf32>
      %ge3A = arith.constant 1.000000e-01 : f32
      %ge3A_187 = vector.broadcast %ge3A : f32 to vector<16xf32>
      %ge3A_188 = arith.cmpf oge, %get3A_181, %ge3A_187 : vector<16xf32>
      %le3A = arith.constant 0.000000e+00 : f32
      %le3A_189 = vector.broadcast %le3A : f32 to vector<16xf32>
      %le3A_190 = arith.cmpf ole, %get3A_181, %le3A_189 : vector<16xf32>
      %select_n3A_191 = arith.select %ge3A_188, %mul3A_186, %broadcast_in_dim3A_3 : vector<16xi1>, vector<16xf32>
      %add3A_192 = arith.addf %scan3A_163, %select_n3A_191 : vector<16xf32>
      %select_n3A_193 = arith.select %le3A_190, %mul3A_186, %broadcast_in_dim3A_3 : vector<16xi1>, vector<16xf32>
      %add3A_194 = arith.addf %scan3A_164, %select_n3A_193 : vector<16xf32>
      %all_reduce_population_count3A = tpu.all_reduce %ge3A_188 {dim = 0 : i64, kind = #tpu.reduction_kind<sum>} : vector<16xi1> -> vector<16xi32>
      %add3A_195 = arith.addi %scan3A_165, %all_reduce_population_count3A : vector<16xi32>
      %all_reduce_population_count3A_196 = tpu.all_reduce %le3A_190 {dim = 0 : i64, kind = #tpu.reduction_kind<sum>} : vector<16xi1> -> vector<16xi32>
      %add3A_197 = arith.addi %scan3A_166, %all_reduce_population_count3A_196 : vector<16xi32>
      %sub3A_198 = arith.subf %get3A_177, %get3A_185 : vector<16xf32>
      %mul3A_199 = arith.mulf %sub3A_198, %sub3A_198 : vector<16xf32>
      %ge3A_200 = arith.constant 1.000000e-01 : f32
      %ge3A_201 = vector.broadcast %ge3A_200 : f32 to vector<16xf32>
      %ge3A_202 = arith.cmpf oge, %get3A_185, %ge3A_201 : vector<16xf32>
      %le3A_203 = arith.constant 0.000000e+00 : f32
      %le3A_204 = vector.broadcast %le3A_203 : f32 to vector<16xf32>
      %le3A_205 = arith.cmpf ole, %get3A_185, %le3A_204 : vector<16xf32>
      %select_n3A_206 = arith.select %ge3A_202, %mul3A_199, %broadcast_in_dim3A_3 : vector<16xi1>, vector<16xf32>
      %add3A_207 = arith.addf %scan3A_167, %select_n3A_206 : vector<16xf32>
      %select_n3A_208 = arith.select %le3A_205, %mul3A_199, %broadcast_in_dim3A_3 : vector<16xi1>, vector<16xf32>
      %add3A_209 = arith.addf %scan3A_168, %select_n3A_208 : vector<16xf32>
      %all_reduce_population_count3A_210 = tpu.all_reduce %ge3A_202 {dim = 0 : i64, kind = #tpu.reduction_kind<sum>} : vector<16xi1> -> vector<16xi32>
      %add3A_211 = arith.addi %scan3A_169, %all_reduce_population_count3A_210 : vector<16xi32>
      %all_reduce_population_count3A_212 = tpu.all_reduce %le3A_205 {dim = 0 : i64, kind = #tpu.reduction_kind<sum>} : vector<16xi1> -> vector<16xi32>
      %add3A_213 = arith.addi %scan3A_170, %all_reduce_population_count3A_212 : vector<16xi32>
      scf.yield %add3A_192, %add3A_194, %add3A_195, %add3A_197, %add3A_207, %add3A_209, %add3A_211, %add3A_213 : vector<16xf32>, vector<16xf32>, vector<16xi32>, vector<16xi32>, vector<16xf32>, vector<16xf32>, vector<16xi32>, vector<16xi32>
    }
    %scan3A_60 = arith.constant 576 : i32
    %dma_wait3A_61 = tpu.memref_slice %arg2[%add3A_46] : memref<1179648xf32, #tpu.memory_space<hbm>> -> memref<9216xf32, #tpu.memory_space<hbm>>
    %dma_wait3A_62 = tpu.memref_slice %arg2[%add3A_46] : memref<1179648xf32, #tpu.memory_space<hbm>> -> memref<9216xf32, #tpu.memory_space<hbm>>
    tpu.wait_dma2 semaphore(%arg16 : memref<!tpu.dma_semaphore, #tpu.memory_space<semaphore_mem>>) src(%dma_wait3A_62 : memref<9216xf32, #tpu.memory_space<hbm>>) dst(%arg7 : memref<9216xf32, #tpu.memory_space<vmem>>)
    %dma_wait3A_63 = tpu.memref_slice %arg3[%add3A_46] : memref<1179648xf32, #tpu.memory_space<hbm>> -> memref<9216xf32, #tpu.memory_space<hbm>>
    %dma_wait3A_64 = tpu.memref_slice %arg3[%add3A_46] : memref<1179648xf32, #tpu.memory_space<hbm>> -> memref<9216xf32, #tpu.memory_space<hbm>>
    tpu.wait_dma2 semaphore(%arg16 : memref<!tpu.dma_semaphore, #tpu.memory_space<semaphore_mem>>) src(%dma_wait3A_64 : memref<9216xf32, #tpu.memory_space<hbm>>) dst(%arg9 : memref<9216xf32, #tpu.memory_space<vmem>>)
    %dma_wait3A_65 = tpu.memref_slice %arg4[%add3A_46] : memref<1179648xf32, #tpu.memory_space<hbm>> -> memref<9216xf32, #tpu.memory_space<hbm>>
    %dma_wait3A_66 = tpu.memref_slice %arg4[%add3A_46] : memref<1179648xf32, #tpu.memory_space<hbm>> -> memref<9216xf32, #tpu.memory_space<hbm>>
    tpu.wait_dma2 semaphore(%arg16 : memref<!tpu.dma_semaphore, #tpu.memory_space<semaphore_mem>>) src(%dma_wait3A_66 : memref<9216xf32, #tpu.memory_space<hbm>>) dst(%arg11 : memref<9216xf32, #tpu.memory_space<vmem>>)
    %dma_wait3A_67 = tpu.memref_slice %arg5[%add3A_46] : memref<1179648xf32, #tpu.memory_space<hbm>> -> memref<9216xf32, #tpu.memory_space<hbm>>
    %dma_wait3A_68 = tpu.memref_slice %arg5[%add3A_46] : memref<1179648xf32, #tpu.memory_space<hbm>> -> memref<9216xf32, #tpu.memory_space<hbm>>
    tpu.wait_dma2 semaphore(%arg16 : memref<!tpu.dma_semaphore, #tpu.memory_space<semaphore_mem>>) src(%dma_wait3A_68 : memref<9216xf32, #tpu.memory_space<hbm>>) dst(%arg13 : memref<9216xf32, #tpu.memory_space<vmem>>)
    %add3A_69 = arith.constant 27648 : i32
    %add3A_70 = arith.addi %mul3A_2, %add3A_69 : i32
    %dma_start3A_71 = tpu.memref_slice %arg2[%add3A_70] : memref<1179648xf32, #tpu.memory_space<hbm>> -> memref<9216xf32, #tpu.memory_space<hbm>>
    %dma_start3A_72 = tpu.memref_slice %arg2[%add3A_70] : memref<1179648xf32, #tpu.memory_space<hbm>> -> memref<9216xf32, #tpu.memory_space<hbm>>
    tpu.enqueue_dma source(%dma_start3A_72 : memref<9216xf32, #tpu.memory_space<hbm>>) target(%arg8 : memref<9216xf32, #tpu.memory_space<vmem>>) target_semaphore(%arg17 : memref<!tpu.dma_semaphore, #tpu.memory_space<semaphore_mem>>)
    %dma_start3A_73 = tpu.memref_slice %arg3[%add3A_70] : memref<1179648xf32, #tpu.memory_space<hbm>> -> memref<9216xf32, #tpu.memory_space<hbm>>
    %dma_start3A_74 = tpu.memref_slice %arg3[%add3A_70] : memref<1179648xf32, #tpu.memory_space<hbm>> -> memref<9216xf32, #tpu.memory_space<hbm>>
    tpu.enqueue_dma source(%dma_start3A_74 : memref<9216xf32, #tpu.memory_space<hbm>>) target(%arg10 : memref<9216xf32, #tpu.memory_space<vmem>>) target_semaphore(%arg17 : memref<!tpu.dma_semaphore, #tpu.memory_space<semaphore_mem>>)
    %dma_start3A_75 = tpu.memref_slice %arg4[%add3A_70] : memref<1179648xf32, #tpu.memory_space<hbm>> -> memref<9216xf32, #tpu.memory_space<hbm>>
    %dma_start3A_76 = tpu.memref_slice %arg4[%add3A_70] : memref<1179648xf32, #tpu.memory_space<hbm>> -> memref<9216xf32, #tpu.memory_space<hbm>>
    tpu.enqueue_dma source(%dma_start3A_76 : memref<9216xf32, #tpu.memory_space<hbm>>) target(%arg12 : memref<9216xf32, #tpu.memory_space<vmem>>) target_semaphore(%arg17 : memref<!tpu.dma_semaphore, #tpu.memory_space<semaphore_mem>>)
    %dma_start3A_77 = tpu.memref_slice %arg5[%add3A_70] : memref<1179648xf32, #tpu.memory_space<hbm>> -> memref<9216xf32, #tpu.memory_space<hbm>>
    %dma_start3A_78 = tpu.memref_slice %arg5[%add3A_70] : memref<1179648xf32, #tpu.memory_space<hbm>> -> memref<9216xf32, #tpu.memory_space<hbm>>
    tpu.enqueue_dma source(%dma_start3A_78 : memref<9216xf32, #tpu.memory_space<hbm>>) target(%arg14 : memref<9216xf32, #tpu.memory_space<vmem>>) target_semaphore(%arg17 : memref<!tpu.dma_semaphore, #tpu.memory_space<semaphore_mem>>)
    %scan3A_79 = arith.constant 0 : i32
    %scan3A_80 = arith.constant 576 : i32
    %scan3A_81 = arith.addi %scan3A_79, %scan3A_80 : i32
    %scan3A_82 = arith.constant 1 : i32
    %scan3A_83:8 = scf.for %scan3A_162 = %scan3A_79 to %scan3A_81 step %scan3A_82 iter_args(%scan3A_163 = %scan3A_59#0, %scan3A_164 = %scan3A_59#1, %scan3A_165 = %scan3A_59#2, %scan3A_166 = %scan3A_59#3, %scan3A_167 = %scan3A_59#4, %scan3A_168 = %scan3A_59#5, %scan3A_169 = %scan3A_59#6, %scan3A_170 = %scan3A_59#7) -> (vector<16xf32>, vector<16xf32>, vector<16xi32>, vector<16xi32>, vector<16xf32>, vector<16xf32>, vector<16xi32>, vector<16xi32>)  : i32 {
      %mul3A_171 = arith.constant 16 : i32
      %mul3A_172 = arith.muli %scan3A_162, %mul3A_171 : i32
      %get3A = arith.index_cast %mul3A_172 : i32 to index
      %get3A_173 = tpu.vector_load %arg7[%get3A] {strides = array<i32>} : memref<9216xf32, #tpu.memory_space<vmem>>, vector<16xf32>,
      %mul3A_174 = arith.constant 16 : i32
      %mul3A_175 = arith.muli %scan3A_162, %mul3A_174 : i32
      %get3A_176 = arith.index_cast %mul3A_175 : i32 to index
      %get3A_177 = tpu.vector_load %arg9[%get3A_176] {strides = array<i32>} : memref<9216xf32, #tpu.memory_space<vmem>>, vector<16xf32>,
      %mul3A_178 = arith.constant 16 : i32
      %mul3A_179 = arith.muli %scan3A_162, %mul3A_178 : i32
      %get3A_180 = arith.index_cast %mul3A_179 : i32 to index
      %get3A_181 = tpu.vector_load %arg11[%get3A_180] {strides = array<i32>} : memref<9216xf32, #tpu.memory_space<vmem>>, vector<16xf32>,
      %mul3A_182 = arith.constant 16 : i32
      %mul3A_183 = arith.muli %scan3A_162, %mul3A_182 : i32
      %get3A_184 = arith.index_cast %mul3A_183 : i32 to index
      %get3A_185 = tpu.vector_load %arg13[%get3A_184] {strides = array<i32>} : memref<9216xf32, #tpu.memory_space<vmem>>, vector<16xf32>,
      %sub3A = arith.subf %get3A_173, %get3A_181 : vector<16xf32>
      %mul3A_186 = arith.mulf %sub3A, %sub3A : vector<16xf32>
      %ge3A = arith.constant 1.000000e-01 : f32
      %ge3A_187 = vector.broadcast %ge3A : f32 to vector<16xf32>
      %ge3A_188 = arith.cmpf oge, %get3A_181, %ge3A_187 : vector<16xf32>
      %le3A = arith.constant 0.000000e+00 : f32
      %le3A_189 = vector.broadcast %le3A : f32 to vector<16xf32>
      %le3A_190 = arith.cmpf ole, %get3A_181, %le3A_189 : vector<16xf32>
      %select_n3A_191 = arith.select %ge3A_188, %mul3A_186, %broadcast_in_dim3A_3 : vector<16xi1>, vector<16xf32>
      %add3A_192 = arith.addf %scan3A_163, %select_n3A_191 : vector<16xf32>
      %select_n3A_193 = arith.select %le3A_190, %mul3A_186, %broadcast_in_dim3A_3 : vector<16xi1>, vector<16xf32>
      %add3A_194 = arith.addf %scan3A_164, %select_n3A_193 : vector<16xf32>
      %all_reduce_population_count3A = tpu.all_reduce %ge3A_188 {dim = 0 : i64, kind = #tpu.reduction_kind<sum>} : vector<16xi1> -> vector<16xi32>
      %add3A_195 = arith.addi %scan3A_165, %all_reduce_population_count3A : vector<16xi32>
      %all_reduce_population_count3A_196 = tpu.all_reduce %le3A_190 {dim = 0 : i64, kind = #tpu.reduction_kind<sum>} : vector<16xi1> -> vector<16xi32>
      %add3A_197 = arith.addi %scan3A_166, %all_reduce_population_count3A_196 : vector<16xi32>
      %sub3A_198 = arith.subf %get3A_177, %get3A_185 : vector<16xf32>
      %mul3A_199 = arith.mulf %sub3A_198, %sub3A_198 : vector<16xf32>
      %ge3A_200 = arith.constant 1.000000e-01 : f32
      %ge3A_201 = vector.broadcast %ge3A_200 : f32 to vector<16xf32>
      %ge3A_202 = arith.cmpf oge, %get3A_185, %ge3A_201 : vector<16xf32>
      %le3A_203 = arith.constant 0.000000e+00 : f32
      %le3A_204 = vector.broadcast %le3A_203 : f32 to vector<16xf32>
      %le3A_205 = arith.cmpf ole, %get3A_185, %le3A_204 : vector<16xf32>
      %select_n3A_206 = arith.select %ge3A_202, %mul3A_199, %broadcast_in_dim3A_3 : vector<16xi1>, vector<16xf32>
      %add3A_207 = arith.addf %scan3A_167, %select_n3A_206 : vector<16xf32>
      %select_n3A_208 = arith.select %le3A_205, %mul3A_199, %broadcast_in_dim3A_3 : vector<16xi1>, vector<16xf32>
      %add3A_209 = arith.addf %scan3A_168, %select_n3A_208 : vector<16xf32>
      %all_reduce_population_count3A_210 = tpu.all_reduce %ge3A_202 {dim = 0 : i64, kind = #tpu.reduction_kind<sum>} : vector<16xi1> -> vector<16xi32>
      %add3A_211 = arith.addi %scan3A_169, %all_reduce_population_count3A_210 : vector<16xi32>
      %all_reduce_population_count3A_212 = tpu.all_reduce %le3A_205 {dim = 0 : i64, kind = #tpu.reduction_kind<sum>} : vector<16xi1> -> vector<16xi32>
      %add3A_213 = arith.addi %scan3A_170, %all_reduce_population_count3A_212 : vector<16xi32>
      scf.yield %add3A_192, %add3A_194, %add3A_195, %add3A_197, %add3A_207, %add3A_209, %add3A_211, %add3A_213 : vector<16xf32>, vector<16xf32>, vector<16xi32>, vector<16xi32>, vector<16xf32>, vector<16xf32>, vector<16xi32>, vector<16xi32>
    }
    %scan3A_84 = arith.constant 576 : i32
    %dma_wait3A_85 = tpu.memref_slice %arg2[%add3A_70] : memref<1179648xf32, #tpu.memory_space<hbm>> -> memref<9216xf32, #tpu.memory_space<hbm>>
    %dma_wait3A_86 = tpu.memref_slice %arg2[%add3A_70] : memref<1179648xf32, #tpu.memory_space<hbm>> -> memref<9216xf32, #tpu.memory_space<hbm>>
    tpu.wait_dma2 semaphore(%arg17 : memref<!tpu.dma_semaphore, #tpu.memory_space<semaphore_mem>>) src(%dma_wait3A_86 : memref<9216xf32, #tpu.memory_space<hbm>>) dst(%arg8 : memref<9216xf32, #tpu.memory_space<vmem>>)
    %dma_wait3A_87 = tpu.memref_slice %arg3[%add3A_70] : memref<1179648xf32, #tpu.memory_space<hbm>> -> memref<9216xf32, #tpu.memory_space<hbm>>
    %dma_wait3A_88 = tpu.memref_slice %arg3[%add3A_70] : memref<1179648xf32, #tpu.memory_space<hbm>> -> memref<9216xf32, #tpu.memory_space<hbm>>
    tpu.wait_dma2 semaphore(%arg17 : memref<!tpu.dma_semaphore, #tpu.memory_space<semaphore_mem>>) src(%dma_wait3A_88 : memref<9216xf32, #tpu.memory_space<hbm>>) dst(%arg10 : memref<9216xf32, #tpu.memory_space<vmem>>)
    %dma_wait3A_89 = tpu.memref_slice %arg4[%add3A_70] : memref<1179648xf32, #tpu.memory_space<hbm>> -> memref<9216xf32, #tpu.memory_space<hbm>>
    %dma_wait3A_90 = tpu.memref_slice %arg4[%add3A_70] : memref<1179648xf32, #tpu.memory_space<hbm>> -> memref<9216xf32, #tpu.memory_space<hbm>>
    tpu.wait_dma2 semaphore(%arg17 : memref<!tpu.dma_semaphore, #tpu.memory_space<semaphore_mem>>) src(%dma_wait3A_90 : memref<9216xf32, #tpu.memory_space<hbm>>) dst(%arg12 : memref<9216xf32, #tpu.memory_space<vmem>>)
    %dma_wait3A_91 = tpu.memref_slice %arg5[%add3A_70] : memref<1179648xf32, #tpu.memory_space<hbm>> -> memref<9216xf32, #tpu.memory_space<hbm>>
    %dma_wait3A_92 = tpu.memref_slice %arg5[%add3A_70] : memref<1179648xf32, #tpu.memory_space<hbm>> -> memref<9216xf32, #tpu.memory_space<hbm>>
    tpu.wait_dma2 semaphore(%arg17 : memref<!tpu.dma_semaphore, #tpu.memory_space<semaphore_mem>>) src(%dma_wait3A_92 : memref<9216xf32, #tpu.memory_space<hbm>>) dst(%arg14 : memref<9216xf32, #tpu.memory_space<vmem>>)
    %scan3A_93 = arith.constant 0 : i32
    %scan3A_94 = arith.constant 576 : i32
    %scan3A_95 = arith.addi %scan3A_93, %scan3A_94 : i32
    %scan3A_96 = arith.constant 1 : i32
    %scan3A_97:8 = scf.for %scan3A_162 = %scan3A_93 to %scan3A_95 step %scan3A_96 iter_args(%scan3A_163 = %scan3A_83#0, %scan3A_164 = %scan3A_83#1, %scan3A_165 = %scan3A_83#2, %scan3A_166 = %scan3A_83#3, %scan3A_167 = %scan3A_83#4, %scan3A_168 = %scan3A_83#5, %scan3A_169 = %scan3A_83#6, %scan3A_170 = %scan3A_83#7) -> (vector<16xf32>, vector<16xf32>, vector<16xi32>, vector<16xi32>, vector<16xf32>, vector<16xf32>, vector<16xi32>, vector<16xi32>)  : i32 {
      %mul3A_171 = arith.constant 16 : i32
      %mul3A_172 = arith.muli %scan3A_162, %mul3A_171 : i32
      %get3A = arith.index_cast %mul3A_172 : i32 to index
      %get3A_173 = tpu.vector_load %arg8[%get3A] {strides = array<i32>} : memref<9216xf32, #tpu.memory_space<vmem>>, vector<16xf32>,
      %mul3A_174 = arith.constant 16 : i32
      %mul3A_175 = arith.muli %scan3A_162, %mul3A_174 : i32
      %get3A_176 = arith.index_cast %mul3A_175 : i32 to index
      %get3A_177 = tpu.vector_load %arg10[%get3A_176] {strides = array<i32>} : memref<9216xf32, #tpu.memory_space<vmem>>, vector<16xf32>,
      %mul3A_178 = arith.constant 16 : i32
      %mul3A_179 = arith.muli %scan3A_162, %mul3A_178 : i32
      %get3A_180 = arith.index_cast %mul3A_179 : i32 to index
      %get3A_181 = tpu.vector_load %arg12[%get3A_180] {strides = array<i32>} : memref<9216xf32, #tpu.memory_space<vmem>>, vector<16xf32>,
      %mul3A_182 = arith.constant 16 : i32
      %mul3A_183 = arith.muli %scan3A_162, %mul3A_182 : i32
      %get3A_184 = arith.index_cast %mul3A_183 : i32 to index
      %get3A_185 = tpu.vector_load %arg14[%get3A_184] {strides = array<i32>} : memref<9216xf32, #tpu.memory_space<vmem>>, vector<16xf32>,
      %sub3A = arith.subf %get3A_173, %get3A_181 : vector<16xf32>
      %mul3A_186 = arith.mulf %sub3A, %sub3A : vector<16xf32>
      %ge3A = arith.constant 1.000000e-01 : f32
      %ge3A_187 = vector.broadcast %ge3A : f32 to vector<16xf32>
      %ge3A_188 = arith.cmpf oge, %get3A_181, %ge3A_187 : vector<16xf32>
      %le3A = arith.constant 0.000000e+00 : f32
      %le3A_189 = vector.broadcast %le3A : f32 to vector<16xf32>
      %le3A_190 = arith.cmpf ole, %get3A_181, %le3A_189 : vector<16xf32>
      %select_n3A_191 = arith.select %ge3A_188, %mul3A_186, %broadcast_in_dim3A_3 : vector<16xi1>, vector<16xf32>
      %add3A_192 = arith.addf %scan3A_163, %select_n3A_191 : vector<16xf32>
      %select_n3A_193 = arith.select %le3A_190, %mul3A_186, %broadcast_in_dim3A_3 : vector<16xi1>, vector<16xf32>
      %add3A_194 = arith.addf %scan3A_164, %select_n3A_193 : vector<16xf32>
      %all_reduce_population_count3A = tpu.all_reduce %ge3A_188 {dim = 0 : i64, kind = #tpu.reduction_kind<sum>} : vector<16xi1> -> vector<16xi32>
      %add3A_195 = arith.addi %scan3A_165, %all_reduce_population_count3A : vector<16xi32>
      %all_reduce_population_count3A_196 = tpu.all_reduce %le3A_190 {dim = 0 : i64, kind = #tpu.reduction_kind<sum>} : vector<16xi1> -> vector<16xi32>
      %add3A_197 = arith.addi %scan3A_166, %all_reduce_population_count3A_196 : vector<16xi32>
      %sub3A_198 = arith.subf %get3A_177, %get3A_185 : vector<16xf32>
      %mul3A_199 = arith.mulf %sub3A_198, %sub3A_198 : vector<16xf32>
      %ge3A_200 = arith.constant 1.000000e-01 : f32
      %ge3A_201 = vector.broadcast %ge3A_200 : f32 to vector<16xf32>
      %ge3A_202 = arith.cmpf oge, %get3A_185, %ge3A_201 : vector<16xf32>
      %le3A_203 = arith.constant 0.000000e+00 : f32
      %le3A_204 = vector.broadcast %le3A_203 : f32 to vector<16xf32>
      %le3A_205 = arith.cmpf ole, %get3A_185, %le3A_204 : vector<16xf32>
      %select_n3A_206 = arith.select %ge3A_202, %mul3A_199, %broadcast_in_dim3A_3 : vector<16xi1>, vector<16xf32>
      %add3A_207 = arith.addf %scan3A_167, %select_n3A_206 : vector<16xf32>
      %select_n3A_208 = arith.select %le3A_205, %mul3A_199, %broadcast_in_dim3A_3 : vector<16xi1>, vector<16xf32>
      %add3A_209 = arith.addf %scan3A_168, %select_n3A_208 : vector<16xf32>
      %all_reduce_population_count3A_210 = tpu.all_reduce %ge3A_202 {dim = 0 : i64, kind = #tpu.reduction_kind<sum>} : vector<16xi1> -> vector<16xi32>
      %add3A_211 = arith.addi %scan3A_169, %all_reduce_population_count3A_210 : vector<16xi32>
      %all_reduce_population_count3A_212 = tpu.all_reduce %le3A_205 {dim = 0 : i64, kind = #tpu.reduction_kind<sum>} : vector<16xi1> -> vector<16xi32>
      %add3A_213 = arith.addi %scan3A_170, %all_reduce_population_count3A_212 : vector<16xi32>
      scf.yield %add3A_192, %add3A_194, %add3A_195, %add3A_197, %add3A_207, %add3A_209, %add3A_211, %add3A_213 : vector<16xf32>, vector<16xf32>, vector<16xi32>, vector<16xi32>, vector<16xf32>, vector<16xf32>, vector<16xi32>, vector<16xi32>
    }
    %scan3A_98 = arith.constant 576 : i32
    %reduce_sum3A = arith.constant true
    %reduce_sum3A_99 = vector.broadcast %reduce_sum3A : i1 to vector<16xi1>
    %reduce_sum3A_100 = tpu.scan <sum>, %scan3A_97#0 masked %reduce_sum3A_99 : vector<16xf32>, vector<16xi1> -> vector<16xf32>
    %reduce_sum3A_101 = vector.extract %reduce_sum3A_100[15] : f32 from vector<16xf32>
    %eq3A = arith.constant 0 : i32
    %eq3A_102 = vector.broadcast %eq3A : i32 to vector<16xi32>
    %eq3A_103 = arith.cmpi eq, %iota3A, %eq3A_102 : vector<16xi32>
    %broadcast_in_dim3A_104 = vector.broadcast %reduce_sum3A_101 : f32 to vector<16xf32>
    %select_n3A = arith.select %eq3A_103, %broadcast_in_dim3A_104, %broadcast_in_dim3A_3 : vector<16xi1>, vector<16xf32>
    %reduce_sum3A_105 = arith.constant true
    %reduce_sum3A_106 = vector.broadcast %reduce_sum3A_105 : i1 to vector<16xi1>
    %reduce_sum3A_107 = tpu.scan <sum>, %scan3A_97#1 masked %reduce_sum3A_106 : vector<16xf32>, vector<16xi1> -> vector<16xf32>
    %reduce_sum3A_108 = vector.extract %reduce_sum3A_107[15] : f32 from vector<16xf32>
    %eq3A_109 = arith.constant 1 : i32
    %eq3A_110 = vector.broadcast %eq3A_109 : i32 to vector<16xi32>
    %eq3A_111 = arith.cmpi eq, %iota3A, %eq3A_110 : vector<16xi32>
    %broadcast_in_dim3A_112 = vector.broadcast %reduce_sum3A_108 : f32 to vector<16xf32>
    %select_n3A_113 = arith.select %eq3A_111, %broadcast_in_dim3A_112, %select_n3A : vector<16xi1>, vector<16xf32>
    %slice3A = vector.extract_strided_slice %scan3A_97#2 {offsets = [0], sizes = [1], strides = [1]} : vector<16xi32> to vector<1xi32>
    %squeeze3A = vector.extract %slice3A[0] : i32 from vector<1xi32>
    %convert_element_type3A = arith.sitofp %squeeze3A : i32 to f32
    %eq3A_114 = arith.constant 2 : i32
    %eq3A_115 = vector.broadcast %eq3A_114 : i32 to vector<16xi32>
    %eq3A_116 = arith.cmpi eq, %iota3A, %eq3A_115 : vector<16xi32>
    %broadcast_in_dim3A_117 = vector.broadcast %convert_element_type3A : f32 to vector<16xf32>
    %select_n3A_118 = arith.select %eq3A_116, %broadcast_in_dim3A_117, %select_n3A_113 : vector<16xi1>, vector<16xf32>
    %slice3A_119 = vector.extract_strided_slice %scan3A_97#3 {offsets = [0], sizes = [1], strides = [1]} : vector<16xi32> to vector<1xi32>
    %squeeze3A_120 = vector.extract %slice3A_119[0] : i32 from vector<1xi32>
    %convert_element_type3A_121 = arith.sitofp %squeeze3A_120 : i32 to f32
    %eq3A_122 = arith.constant 3 : i32
    %eq3A_123 = vector.broadcast %eq3A_122 : i32 to vector<16xi32>
    %eq3A_124 = arith.cmpi eq, %iota3A, %eq3A_123 : vector<16xi32>
    %broadcast_in_dim3A_125 = vector.broadcast %convert_element_type3A_121 : f32 to vector<16xf32>
    %select_n3A_126 = arith.select %eq3A_124, %broadcast_in_dim3A_125, %select_n3A_118 : vector<16xi1>, vector<16xf32>
    %reduce_sum3A_127 = arith.constant true
    %reduce_sum3A_128 = vector.broadcast %reduce_sum3A_127 : i1 to vector<16xi1>
    %reduce_sum3A_129 = tpu.scan <sum>, %scan3A_97#4 masked %reduce_sum3A_128 : vector<16xf32>, vector<16xi1> -> vector<16xf32>
    %reduce_sum3A_130 = vector.extract %reduce_sum3A_129[15] : f32 from vector<16xf32>
    %eq3A_131 = arith.constant 4 : i32
    %eq3A_132 = vector.broadcast %eq3A_131 : i32 to vector<16xi32>
    %eq3A_133 = arith.cmpi eq, %iota3A, %eq3A_132 : vector<16xi32>
    %broadcast_in_dim3A_134 = vector.broadcast %reduce_sum3A_130 : f32 to vector<16xf32>
    %select_n3A_135 = arith.select %eq3A_133, %broadcast_in_dim3A_134, %select_n3A_126 : vector<16xi1>, vector<16xf32>
    %reduce_sum3A_136 = arith.constant true
    %reduce_sum3A_137 = vector.broadcast %reduce_sum3A_136 : i1 to vector<16xi1>
    %reduce_sum3A_138 = tpu.scan <sum>, %scan3A_97#5 masked %reduce_sum3A_137 : vector<16xf32>, vector<16xi1> -> vector<16xf32>
    %reduce_sum3A_139 = vector.extract %reduce_sum3A_138[15] : f32 from vector<16xf32>
    %eq3A_140 = arith.constant 5 : i32
    %eq3A_141 = vector.broadcast %eq3A_140 : i32 to vector<16xi32>
    %eq3A_142 = arith.cmpi eq, %iota3A, %eq3A_141 : vector<16xi32>
    %broadcast_in_dim3A_143 = vector.broadcast %reduce_sum3A_139 : f32 to vector<16xf32>
    %select_n3A_144 = arith.select %eq3A_142, %broadcast_in_dim3A_143, %select_n3A_135 : vector<16xi1>, vector<16xf32>
    %slice3A_145 = vector.extract_strided_slice %scan3A_97#6 {offsets = [0], sizes = [1], strides = [1]} : vector<16xi32> to vector<1xi32>
    %squeeze3A_146 = vector.extract %slice3A_145[0] : i32 from vector<1xi32>
    %convert_element_type3A_147 = arith.sitofp %squeeze3A_146 : i32 to f32
    %eq3A_148 = arith.constant 6 : i32
    %eq3A_149 = vector.broadcast %eq3A_148 : i32 to vector<16xi32>
    %eq3A_150 = arith.cmpi eq, %iota3A, %eq3A_149 : vector<16xi32>
    %broadcast_in_dim3A_151 = vector.broadcast %convert_element_type3A_147 : f32 to vector<16xf32>
    %select_n3A_152 = arith.select %eq3A_150, %broadcast_in_dim3A_151, %select_n3A_144 : vector<16xi1>, vector<16xf32>
    %slice3A_153 = vector.extract_strided_slice %scan3A_97#7 {offsets = [0], sizes = [1], strides = [1]} : vector<16xi32> to vector<1xi32>
    %squeeze3A_154 = vector.extract %slice3A_153[0] : i32 from vector<1xi32>
    %convert_element_type3A_155 = arith.sitofp %squeeze3A_154 : i32 to f32
    %eq3A_156 = arith.constant 7 : i32
    %eq3A_157 = vector.broadcast %eq3A_156 : i32 to vector<16xi32>
    %eq3A_158 = arith.cmpi eq, %iota3A, %eq3A_157 : vector<16xi32>
    %broadcast_in_dim3A_159 = vector.broadcast %convert_element_type3A_155 : f32 to vector<16xf32>
    %select_n3A_160 = arith.select %eq3A_158, %broadcast_in_dim3A_159, %select_n3A_152 : vector<16xi1>, vector<16xf32>
    %swap3A = arith.constant 0 : index
    %swap3A_161 = tpu.vector_load %arg15[%swap3A] {strides = array<i32>} : memref<16xf32, #tpu.memory_space<vmem>>, vector<16xf32>,
    tpu.vector_store %arg15[%swap3A], %select_n3A_160 {strides = array<i32>} : memref<16xf32, #tpu.memory_space<vmem>>, vector<16xf32>,
    "tpu.region"() ({
      %run_scoped3A = tpu.sem_alloc : memref<!tpu.dma_semaphore, #tpu.memory_space<semaphore_mem>>
      %dma_start3A_162 = arith.constant 0 : i32
      %dma_start3A_163 = tpu.memref_slice %arg6[%add3A, %dma_start3A_162] : memref<32x16xf32, #tpu.memory_space<hbm>> -> memref<1x16xf32, #tpu.memory_space<hbm>>
      %dma_start3A_164 = tpu.memref_squeeze %dma_start3A_163 : memref<1x16xf32, #tpu.memory_space<hbm>> -> memref<16xf32, #tpu.memory_space<hbm>>
      %dma_start3A_165 = arith.constant 0 : i32
      %dma_start3A_166 = tpu.memref_slice %arg6[%add3A, %dma_start3A_165] : memref<32x16xf32, #tpu.memory_space<hbm>> -> memref<1x16xf32, #tpu.memory_space<hbm>>
      %dma_start3A_167 = tpu.memref_squeeze %dma_start3A_166 : memref<1x16xf32, #tpu.memory_space<hbm>> -> memref<16xf32, #tpu.memory_space<hbm>>
      tpu.enqueue_dma source(%arg15 : memref<16xf32, #tpu.memory_space<vmem>>) target(%dma_start3A_167 : memref<16xf32, #tpu.memory_space<hbm>>) target_semaphore(%run_scoped3A : memref<!tpu.dma_semaphore, #tpu.memory_space<semaphore_mem>>)
      %dma_wait3A_168 = arith.constant 0 : i32
      %dma_wait3A_169 = tpu.memref_slice %arg6[%add3A, %dma_wait3A_168] : memref<32x16xf32, #tpu.memory_space<hbm>> -> memref<1x16xf32, #tpu.memory_space<hbm>>
      %dma_wait3A_170 = tpu.memref_squeeze %dma_wait3A_169 : memref<1x16xf32, #tpu.memory_space<hbm>> -> memref<16xf32, #tpu.memory_space<hbm>>
      %dma_wait3A_171 = arith.constant 0 : i32
      %dma_wait3A_172 = tpu.memref_slice %arg6[%add3A, %dma_wait3A_171] : memref<32x16xf32, #tpu.memory_space<hbm>> -> memref<1x16xf32, #tpu.memory_space<hbm>>
      %dma_wait3A_173 = tpu.memref_squeeze %dma_wait3A_172 : memref<1x16xf32, #tpu.memory_space<hbm>> -> memref<16xf32, #tpu.memory_space<hbm>>
      tpu.wait_dma2 semaphore(%run_scoped3A : memref<!tpu.dma_semaphore, #tpu.memory_space<semaphore_mem>>) src(%arg15 : memref<16xf32, #tpu.memory_space<vmem>>) dst(%dma_wait3A_173 : memref<16xf32, #tpu.memory_space<hbm>>)
      tpu.yield
    }) : () -> ()
    return
  }
}

#map = affine_map<(d0, d1) -> (0, 0)>
#map1 = affine_map<(d0, d1) -> (0)>
module attributes {stable_mosaic.version = 14 : i64} {
  func.func @_sc_finalize_kernel(%arg0: i32, %arg1: i32, %arg2: memref<32x16xf32, #tpu.memory_space<hbm>>, %arg3: memref<16xf32, #tpu.memory_space<hbm>>, %arg4: memref<32x16xf32, #tpu.memory_space<vmem>>, %arg5: memref<16xf32, #tpu.memory_space<vmem>>) attributes {dimension_semantics = [#tpu.dimension_semantics<core_parallel>, #tpu.dimension_semantics<subcore_parallel>], iteration_bounds = array<i64: 2, 16>, scalar_prefetch = 0 : i64, scratch_operands = 2 : i64, tpu.core_type = #tpu.core_type<sc_vector_subcore>, window_params = [{transform_indices = #map}, {transform_indices = #map1}]} {
    %mul3A = arith.constant 2 : i32
    %mul3A_0 = arith.muli %arg1, %mul3A : i32
    %add3A = arith.addi %mul3A_0, %arg0 : i32
    %eq3A = arith.constant 0 : i32
    %eq3A_1 = arith.cmpi eq, %add3A, %eq3A : i32
    %convert_element_type3A = arith.extui %eq3A_1 : i1 to i32
    %cond3A = arith.constant 0 : i32
    %cond3A_2 = arith.cmpi ne, %convert_element_type3A, %cond3A : i32
    scf.if %cond3A_2 {
      "tpu.region"() ({
        %run_scoped3A = tpu.sem_alloc : memref<!tpu.dma_semaphore, #tpu.memory_space<semaphore_mem>>
        tpu.enqueue_dma source(%arg2 : memref<32x16xf32, #tpu.memory_space<hbm>>) target(%arg4 : memref<32x16xf32, #tpu.memory_space<vmem>>) target_semaphore(%run_scoped3A : memref<!tpu.dma_semaphore, #tpu.memory_space<semaphore_mem>>)
        tpu.wait_dma2 semaphore(%run_scoped3A : memref<!tpu.dma_semaphore, #tpu.memory_space<semaphore_mem>>) src(%arg2 : memref<32x16xf32, #tpu.memory_space<hbm>>) dst(%arg4 : memref<32x16xf32, #tpu.memory_space<vmem>>)
        tpu.yield
      }) : () -> ()
      %broadcast_in_dim3A = arith.constant 0.000000e+00 : f32
      %broadcast_in_dim3A_3 = vector.broadcast %broadcast_in_dim3A : f32 to vector<16xf32>
      %get3A = arith.constant 0 : i32
      %get3A_4 = arith.index_cast %get3A : i32 to index
      %get3A_5 = arith.constant 0 : index
      %get3A_6 = tpu.vector_load %arg4[%get3A_4, %get3A_5] {strides = array<i32>} : memref<32x16xf32, #tpu.memory_space<vmem>>, vector<16xf32>,
      %add3A_7 = arith.addf %broadcast_in_dim3A_3, %get3A_6 : vector<16xf32>
      %get3A_8 = arith.constant 1 : i32
      %get3A_9 = arith.index_cast %get3A_8 : i32 to index
      %get3A_10 = arith.constant 0 : index
      %get3A_11 = tpu.vector_load %arg4[%get3A_9, %get3A_10] {strides = array<i32>} : memref<32x16xf32, #tpu.memory_space<vmem>>, vector<16xf32>,
      %add3A_12 = arith.addf %add3A_7, %get3A_11 : vector<16xf32>
      %get3A_13 = arith.constant 2 : i32
      %get3A_14 = arith.index_cast %get3A_13 : i32 to index
      %get3A_15 = arith.constant 0 : index
      %get3A_16 = tpu.vector_load %arg4[%get3A_14, %get3A_15] {strides = array<i32>} : memref<32x16xf32, #tpu.memory_space<vmem>>, vector<16xf32>,
      %add3A_17 = arith.addf %add3A_12, %get3A_16 : vector<16xf32>
      %get3A_18 = arith.constant 3 : i32
      %get3A_19 = arith.index_cast %get3A_18 : i32 to index
      %get3A_20 = arith.constant 0 : index
      %get3A_21 = tpu.vector_load %arg4[%get3A_19, %get3A_20] {strides = array<i32>} : memref<32x16xf32, #tpu.memory_space<vmem>>, vector<16xf32>,
      %add3A_22 = arith.addf %add3A_17, %get3A_21 : vector<16xf32>
      %get3A_23 = arith.constant 4 : i32
      %get3A_24 = arith.index_cast %get3A_23 : i32 to index
      %get3A_25 = arith.constant 0 : index
      %get3A_26 = tpu.vector_load %arg4[%get3A_24, %get3A_25] {strides = array<i32>} : memref<32x16xf32, #tpu.memory_space<vmem>>, vector<16xf32>,
      %add3A_27 = arith.addf %add3A_22, %get3A_26 : vector<16xf32>
      %get3A_28 = arith.constant 5 : i32
      %get3A_29 = arith.index_cast %get3A_28 : i32 to index
      %get3A_30 = arith.constant 0 : index
      %get3A_31 = tpu.vector_load %arg4[%get3A_29, %get3A_30] {strides = array<i32>} : memref<32x16xf32, #tpu.memory_space<vmem>>, vector<16xf32>,
      %add3A_32 = arith.addf %add3A_27, %get3A_31 : vector<16xf32>
      %get3A_33 = arith.constant 6 : i32
      %get3A_34 = arith.index_cast %get3A_33 : i32 to index
      %get3A_35 = arith.constant 0 : index
      %get3A_36 = tpu.vector_load %arg4[%get3A_34, %get3A_35] {strides = array<i32>} : memref<32x16xf32, #tpu.memory_space<vmem>>, vector<16xf32>,
      %add3A_37 = arith.addf %add3A_32, %get3A_36 : vector<16xf32>
      %get3A_38 = arith.constant 7 : i32
      %get3A_39 = arith.index_cast %get3A_38 : i32 to index
      %get3A_40 = arith.constant 0 : index
      %get3A_41 = tpu.vector_load %arg4[%get3A_39, %get3A_40] {strides = array<i32>} : memref<32x16xf32, #tpu.memory_space<vmem>>, vector<16xf32>,
      %add3A_42 = arith.addf %add3A_37, %get3A_41 : vector<16xf32>
      %get3A_43 = arith.constant 8 : i32
      %get3A_44 = arith.index_cast %get3A_43 : i32 to index
      %get3A_45 = arith.constant 0 : index
      %get3A_46 = tpu.vector_load %arg4[%get3A_44, %get3A_45] {strides = array<i32>} : memref<32x16xf32, #tpu.memory_space<vmem>>, vector<16xf32>,
      %add3A_47 = arith.addf %add3A_42, %get3A_46 : vector<16xf32>
      %get3A_48 = arith.constant 9 : i32
      %get3A_49 = arith.index_cast %get3A_48 : i32 to index
      %get3A_50 = arith.constant 0 : index
      %get3A_51 = tpu.vector_load %arg4[%get3A_49, %get3A_50] {strides = array<i32>} : memref<32x16xf32, #tpu.memory_space<vmem>>, vector<16xf32>,
      %add3A_52 = arith.addf %add3A_47, %get3A_51 : vector<16xf32>
      %get3A_53 = arith.constant 10 : i32
      %get3A_54 = arith.index_cast %get3A_53 : i32 to index
      %get3A_55 = arith.constant 0 : index
      %get3A_56 = tpu.vector_load %arg4[%get3A_54, %get3A_55] {strides = array<i32>} : memref<32x16xf32, #tpu.memory_space<vmem>>, vector<16xf32>,
      %add3A_57 = arith.addf %add3A_52, %get3A_56 : vector<16xf32>
      %get3A_58 = arith.constant 11 : i32
      %get3A_59 = arith.index_cast %get3A_58 : i32 to index
      %get3A_60 = arith.constant 0 : index
      %get3A_61 = tpu.vector_load %arg4[%get3A_59, %get3A_60] {strides = array<i32>} : memref<32x16xf32, #tpu.memory_space<vmem>>, vector<16xf32>,
      %add3A_62 = arith.addf %add3A_57, %get3A_61 : vector<16xf32>
      %get3A_63 = arith.constant 12 : i32
      %get3A_64 = arith.index_cast %get3A_63 : i32 to index
      %get3A_65 = arith.constant 0 : index
      %get3A_66 = tpu.vector_load %arg4[%get3A_64, %get3A_65] {strides = array<i32>} : memref<32x16xf32, #tpu.memory_space<vmem>>, vector<16xf32>,
      %add3A_67 = arith.addf %add3A_62, %get3A_66 : vector<16xf32>
      %get3A_68 = arith.constant 13 : i32
      %get3A_69 = arith.index_cast %get3A_68 : i32 to index
      %get3A_70 = arith.constant 0 : index
      %get3A_71 = tpu.vector_load %arg4[%get3A_69, %get3A_70] {strides = array<i32>} : memref<32x16xf32, #tpu.memory_space<vmem>>, vector<16xf32>,
      %add3A_72 = arith.addf %add3A_67, %get3A_71 : vector<16xf32>
      %get3A_73 = arith.constant 14 : i32
      %get3A_74 = arith.index_cast %get3A_73 : i32 to index
      %get3A_75 = arith.constant 0 : index
      %get3A_76 = tpu.vector_load %arg4[%get3A_74, %get3A_75] {strides = array<i32>} : memref<32x16xf32, #tpu.memory_space<vmem>>, vector<16xf32>,
      %add3A_77 = arith.addf %add3A_72, %get3A_76 : vector<16xf32>
      %get3A_78 = arith.constant 15 : i32
      %get3A_79 = arith.index_cast %get3A_78 : i32 to index
      %get3A_80 = arith.constant 0 : index
      %get3A_81 = tpu.vector_load %arg4[%get3A_79, %get3A_80] {strides = array<i32>} : memref<32x16xf32, #tpu.memory_space<vmem>>, vector<16xf32>,
      %add3A_82 = arith.addf %add3A_77, %get3A_81 : vector<16xf32>
      %get3A_83 = arith.constant 16 : i32
      %get3A_84 = arith.index_cast %get3A_83 : i32 to index
      %get3A_85 = arith.constant 0 : index
      %get3A_86 = tpu.vector_load %arg4[%get3A_84, %get3A_85] {strides = array<i32>} : memref<32x16xf32, #tpu.memory_space<vmem>>, vector<16xf32>,
      %add3A_87 = arith.addf %add3A_82, %get3A_86 : vector<16xf32>
      %get3A_88 = arith.constant 17 : i32
      %get3A_89 = arith.index_cast %get3A_88 : i32 to index
      %get3A_90 = arith.constant 0 : index
      %get3A_91 = tpu.vector_load %arg4[%get3A_89, %get3A_90] {strides = array<i32>} : memref<32x16xf32, #tpu.memory_space<vmem>>, vector<16xf32>,
      %add3A_92 = arith.addf %add3A_87, %get3A_91 : vector<16xf32>
      %get3A_93 = arith.constant 18 : i32
      %get3A_94 = arith.index_cast %get3A_93 : i32 to index
      %get3A_95 = arith.constant 0 : index
      %get3A_96 = tpu.vector_load %arg4[%get3A_94, %get3A_95] {strides = array<i32>} : memref<32x16xf32, #tpu.memory_space<vmem>>, vector<16xf32>,
      %add3A_97 = arith.addf %add3A_92, %get3A_96 : vector<16xf32>
      %get3A_98 = arith.constant 19 : i32
      %get3A_99 = arith.index_cast %get3A_98 : i32 to index
      %get3A_100 = arith.constant 0 : index
      %get3A_101 = tpu.vector_load %arg4[%get3A_99, %get3A_100] {strides = array<i32>} : memref<32x16xf32, #tpu.memory_space<vmem>>, vector<16xf32>,
      %add3A_102 = arith.addf %add3A_97, %get3A_101 : vector<16xf32>
      %get3A_103 = arith.constant 20 : i32
      %get3A_104 = arith.index_cast %get3A_103 : i32 to index
      %get3A_105 = arith.constant 0 : index
      %get3A_106 = tpu.vector_load %arg4[%get3A_104, %get3A_105] {strides = array<i32>} : memref<32x16xf32, #tpu.memory_space<vmem>>, vector<16xf32>,
      %add3A_107 = arith.addf %add3A_102, %get3A_106 : vector<16xf32>
      %get3A_108 = arith.constant 21 : i32
      %get3A_109 = arith.index_cast %get3A_108 : i32 to index
      %get3A_110 = arith.constant 0 : index
      %get3A_111 = tpu.vector_load %arg4[%get3A_109, %get3A_110] {strides = array<i32>} : memref<32x16xf32, #tpu.memory_space<vmem>>, vector<16xf32>,
      %add3A_112 = arith.addf %add3A_107, %get3A_111 : vector<16xf32>
      %get3A_113 = arith.constant 22 : i32
      %get3A_114 = arith.index_cast %get3A_113 : i32 to index
      %get3A_115 = arith.constant 0 : index
      %get3A_116 = tpu.vector_load %arg4[%get3A_114, %get3A_115] {strides = array<i32>} : memref<32x16xf32, #tpu.memory_space<vmem>>, vector<16xf32>,
      %add3A_117 = arith.addf %add3A_112, %get3A_116 : vector<16xf32>
      %get3A_118 = arith.constant 23 : i32
      %get3A_119 = arith.index_cast %get3A_118 : i32 to index
      %get3A_120 = arith.constant 0 : index
      %get3A_121 = tpu.vector_load %arg4[%get3A_119, %get3A_120] {strides = array<i32>} : memref<32x16xf32, #tpu.memory_space<vmem>>, vector<16xf32>,
      %add3A_122 = arith.addf %add3A_117, %get3A_121 : vector<16xf32>
      %get3A_123 = arith.constant 24 : i32
      %get3A_124 = arith.index_cast %get3A_123 : i32 to index
      %get3A_125 = arith.constant 0 : index
      %get3A_126 = tpu.vector_load %arg4[%get3A_124, %get3A_125] {strides = array<i32>} : memref<32x16xf32, #tpu.memory_space<vmem>>, vector<16xf32>,
      %add3A_127 = arith.addf %add3A_122, %get3A_126 : vector<16xf32>
      %get3A_128 = arith.constant 25 : i32
      %get3A_129 = arith.index_cast %get3A_128 : i32 to index
      %get3A_130 = arith.constant 0 : index
      %get3A_131 = tpu.vector_load %arg4[%get3A_129, %get3A_130] {strides = array<i32>} : memref<32x16xf32, #tpu.memory_space<vmem>>, vector<16xf32>,
      %add3A_132 = arith.addf %add3A_127, %get3A_131 : vector<16xf32>
      %get3A_133 = arith.constant 26 : i32
      %get3A_134 = arith.index_cast %get3A_133 : i32 to index
      %get3A_135 = arith.constant 0 : index
      %get3A_136 = tpu.vector_load %arg4[%get3A_134, %get3A_135] {strides = array<i32>} : memref<32x16xf32, #tpu.memory_space<vmem>>, vector<16xf32>,
      %add3A_137 = arith.addf %add3A_132, %get3A_136 : vector<16xf32>
      %get3A_138 = arith.constant 27 : i32
      %get3A_139 = arith.index_cast %get3A_138 : i32 to index
      %get3A_140 = arith.constant 0 : index
      %get3A_141 = tpu.vector_load %arg4[%get3A_139, %get3A_140] {strides = array<i32>} : memref<32x16xf32, #tpu.memory_space<vmem>>, vector<16xf32>,
      %add3A_142 = arith.addf %add3A_137, %get3A_141 : vector<16xf32>
      %get3A_143 = arith.constant 28 : i32
      %get3A_144 = arith.index_cast %get3A_143 : i32 to index
      %get3A_145 = arith.constant 0 : index
      %get3A_146 = tpu.vector_load %arg4[%get3A_144, %get3A_145] {strides = array<i32>} : memref<32x16xf32, #tpu.memory_space<vmem>>, vector<16xf32>,
      %add3A_147 = arith.addf %add3A_142, %get3A_146 : vector<16xf32>
      %get3A_148 = arith.constant 29 : i32
      %get3A_149 = arith.index_cast %get3A_148 : i32 to index
      %get3A_150 = arith.constant 0 : index
      %get3A_151 = tpu.vector_load %arg4[%get3A_149, %get3A_150] {strides = array<i32>} : memref<32x16xf32, #tpu.memory_space<vmem>>, vector<16xf32>,
      %add3A_152 = arith.addf %add3A_147, %get3A_151 : vector<16xf32>
      %get3A_153 = arith.constant 30 : i32
      %get3A_154 = arith.index_cast %get3A_153 : i32 to index
      %get3A_155 = arith.constant 0 : index
      %get3A_156 = tpu.vector_load %arg4[%get3A_154, %get3A_155] {strides = array<i32>} : memref<32x16xf32, #tpu.memory_space<vmem>>, vector<16xf32>,
      %add3A_157 = arith.addf %add3A_152, %get3A_156 : vector<16xf32>
      %get3A_158 = arith.constant 31 : i32
      %get3A_159 = arith.index_cast %get3A_158 : i32 to index
      %get3A_160 = arith.constant 0 : index
      %get3A_161 = tpu.vector_load %arg4[%get3A_159, %get3A_160] {strides = array<i32>} : memref<32x16xf32, #tpu.memory_space<vmem>>, vector<16xf32>,
      %add3A_162 = arith.addf %add3A_157, %get3A_161 : vector<16xf32>
      %slice3A = vector.extract_strided_slice %add3A_162 {offsets = [2], sizes = [1], strides = [1]} : vector<16xf32> to vector<1xf32>
      %squeeze3A = vector.extract %slice3A[0] : f32 from vector<1xf32>
      %slice3A_163 = vector.extract_strided_slice %add3A_162 {offsets = [3], sizes = [1], strides = [1]} : vector<16xf32> to vector<1xf32>
      %squeeze3A_164 = vector.extract %slice3A_163[0] : f32 from vector<1xf32>
      %slice3A_165 = vector.extract_strided_slice %add3A_162 {offsets = [6], sizes = [1], strides = [1]} : vector<16xf32> to vector<1xf32>
      %squeeze3A_166 = vector.extract %slice3A_165[0] : f32 from vector<1xf32>
      %slice3A_167 = vector.extract_strided_slice %add3A_162 {offsets = [7], sizes = [1], strides = [1]} : vector<16xf32> to vector<1xf32>
      %squeeze3A_168 = vector.extract %slice3A_167[0] : f32 from vector<1xf32>
      %iota3A = tpu.iota {dimensions = array<i32: 0>} : vector<16xi32>
      %mul3A_169 = arith.constant 3.000000e+00 : f32
      %mul3A_170 = arith.mulf %mul3A_169, %squeeze3A : f32
      %max3A = arith.constant 1.000000e+03 : f32
      %max3A_171 = arith.maximumf %max3A, %mul3A_170 : f32
      %mul3A_172 = arith.constant 3.000000e+00 : f32
      %mul3A_173 = arith.mulf %mul3A_172, %squeeze3A_166 : f32
      %max3A_174 = arith.constant 1.000000e+03 : f32
      %max3A_175 = arith.maximumf %max3A_174, %mul3A_173 : f32
      %ge3A = arith.cmpf oge, %max3A_171, %squeeze3A_164 : f32
      %jit3A = arith.constant 1.000000e+00 : f32
      %jit3A_176 = arith.constant 0.000000e+00 : f32
      %select_n3A = arith.select %ge3A, %jit3A, %jit3A_176 : f32
      %ge3A_177 = arith.cmpf oge, %max3A_175, %squeeze3A_168 : f32
      %jit3A_178 = arith.constant 1.000000e+00 : f32
      %jit3A_179 = arith.constant 0.000000e+00 : f32
      %select_n3A_180 = arith.select %ge3A_177, %jit3A_178, %jit3A_179 : f32
      %broadcast_in_dim3A_181 = arith.constant 0.000000e+00 : f32
      %broadcast_in_dim3A_182 = vector.broadcast %broadcast_in_dim3A_181 : f32 to vector<16xf32>
      %eq3A_183 = arith.constant 0 : i32
      %eq3A_184 = vector.broadcast %eq3A_183 : i32 to vector<16xi32>
      %eq3A_185 = arith.cmpi eq, %iota3A, %eq3A_184 : vector<16xi32>
      %broadcast_in_dim3A_186 = vector.broadcast %select_n3A : f32 to vector<16xf32>
      %select_n3A_187 = arith.select %eq3A_185, %broadcast_in_dim3A_186, %broadcast_in_dim3A_182 : vector<16xi1>, vector<16xf32>
      %eq3A_188 = arith.constant 1 : i32
      %eq3A_189 = vector.broadcast %eq3A_188 : i32 to vector<16xi32>
      %eq3A_190 = arith.cmpi eq, %iota3A, %eq3A_189 : vector<16xi32>
      %broadcast_in_dim3A_191 = vector.broadcast %select_n3A_180 : f32 to vector<16xf32>
      %select_n3A_192 = arith.select %eq3A_190, %broadcast_in_dim3A_191, %select_n3A_187 : vector<16xi1>, vector<16xf32>
      %eq3A_193 = arith.constant 2 : i32
      %eq3A_194 = vector.broadcast %eq3A_193 : i32 to vector<16xi32>
      %eq3A_195 = arith.cmpi eq, %iota3A, %eq3A_194 : vector<16xi32>
      %slice3A_196 = vector.extract_strided_slice %add3A_162 {offsets = [0], sizes = [1], strides = [1]} : vector<16xf32> to vector<1xf32>
      %squeeze3A_197 = vector.extract %slice3A_196[0] : f32 from vector<1xf32>
      %broadcast_in_dim3A_198 = vector.broadcast %squeeze3A_197 : f32 to vector<16xf32>
      %select_n3A_199 = arith.select %eq3A_195, %broadcast_in_dim3A_198, %select_n3A_192 : vector<16xi1>, vector<16xf32>
      %eq3A_200 = arith.constant 3 : i32
      %eq3A_201 = vector.broadcast %eq3A_200 : i32 to vector<16xi32>
      %eq3A_202 = arith.cmpi eq, %iota3A, %eq3A_201 : vector<16xi32>
      %slice3A_203 = vector.extract_strided_slice %add3A_162 {offsets = [1], sizes = [1], strides = [1]} : vector<16xf32> to vector<1xf32>
      %squeeze3A_204 = vector.extract %slice3A_203[0] : f32 from vector<1xf32>
      %broadcast_in_dim3A_205 = vector.broadcast %squeeze3A_204 : f32 to vector<16xf32>
      %select_n3A_206 = arith.select %eq3A_202, %broadcast_in_dim3A_205, %select_n3A_199 : vector<16xi1>, vector<16xf32>
      %eq3A_207 = arith.constant 4 : i32
      %eq3A_208 = vector.broadcast %eq3A_207 : i32 to vector<16xi32>
      %eq3A_209 = arith.cmpi eq, %iota3A, %eq3A_208 : vector<16xi32>
      %slice3A_210 = vector.extract_strided_slice %add3A_162 {offsets = [2], sizes = [1], strides = [1]} : vector<16xf32> to vector<1xf32>
      %squeeze3A_211 = vector.extract %slice3A_210[0] : f32 from vector<1xf32>
      %broadcast_in_dim3A_212 = vector.broadcast %squeeze3A_211 : f32 to vector<16xf32>
      %select_n3A_213 = arith.select %eq3A_209, %broadcast_in_dim3A_212, %select_n3A_206 : vector<16xi1>, vector<16xf32>
      %eq3A_214 = arith.constant 5 : i32
      %eq3A_215 = vector.broadcast %eq3A_214 : i32 to vector<16xi32>
      %eq3A_216 = arith.cmpi eq, %iota3A, %eq3A_215 : vector<16xi32>
      %slice3A_217 = vector.extract_strided_slice %add3A_162 {offsets = [3], sizes = [1], strides = [1]} : vector<16xf32> to vector<1xf32>
      %squeeze3A_218 = vector.extract %slice3A_217[0] : f32 from vector<1xf32>
      %broadcast_in_dim3A_219 = vector.broadcast %squeeze3A_218 : f32 to vector<16xf32>
      %select_n3A_220 = arith.select %eq3A_216, %broadcast_in_dim3A_219, %select_n3A_213 : vector<16xi1>, vector<16xf32>
      %eq3A_221 = arith.constant 6 : i32
      %eq3A_222 = vector.broadcast %eq3A_221 : i32 to vector<16xi32>
      %eq3A_223 = arith.cmpi eq, %iota3A, %eq3A_222 : vector<16xi32>
      %slice3A_224 = vector.extract_strided_slice %add3A_162 {offsets = [4], sizes = [1], strides = [1]} : vector<16xf32> to vector<1xf32>
      %squeeze3A_225 = vector.extract %slice3A_224[0] : f32 from vector<1xf32>
      %broadcast_in_dim3A_226 = vector.broadcast %squeeze3A_225 : f32 to vector<16xf32>
      %select_n3A_227 = arith.select %eq3A_223, %broadcast_in_dim3A_226, %select_n3A_220 : vector<16xi1>, vector<16xf32>
      %eq3A_228 = arith.constant 7 : i32
      %eq3A_229 = vector.broadcast %eq3A_228 : i32 to vector<16xi32>
      %eq3A_230 = arith.cmpi eq, %iota3A, %eq3A_229 : vector<16xi32>
      %slice3A_231 = vector.extract_strided_slice %add3A_162 {offsets = [5], sizes = [1], strides = [1]} : vector<16xf32> to vector<1xf32>
      %squeeze3A_232 = vector.extract %slice3A_231[0] : f32 from vector<1xf32>
      %broadcast_in_dim3A_233 = vector.broadcast %squeeze3A_232 : f32 to vector<16xf32>
      %select_n3A_234 = arith.select %eq3A_230, %broadcast_in_dim3A_233, %select_n3A_227 : vector<16xi1>, vector<16xf32>
      %eq3A_235 = arith.constant 8 : i32
      %eq3A_236 = vector.broadcast %eq3A_235 : i32 to vector<16xi32>
      %eq3A_237 = arith.cmpi eq, %iota3A, %eq3A_236 : vector<16xi32>
      %slice3A_238 = vector.extract_strided_slice %add3A_162 {offsets = [6], sizes = [1], strides = [1]} : vector<16xf32> to vector<1xf32>
      %squeeze3A_239 = vector.extract %slice3A_238[0] : f32 from vector<1xf32>
      %broadcast_in_dim3A_240 = vector.broadcast %squeeze3A_239 : f32 to vector<16xf32>
      %select_n3A_241 = arith.select %eq3A_237, %broadcast_in_dim3A_240, %select_n3A_234 : vector<16xi1>, vector<16xf32>
      %eq3A_242 = arith.constant 9 : i32
      %eq3A_243 = vector.broadcast %eq3A_242 : i32 to vector<16xi32>
      %eq3A_244 = arith.cmpi eq, %iota3A, %eq3A_243 : vector<16xi32>
      %slice3A_245 = vector.extract_strided_slice %add3A_162 {offsets = [7], sizes = [1], strides = [1]} : vector<16xf32> to vector<1xf32>
      %squeeze3A_246 = vector.extract %slice3A_245[0] : f32 from vector<1xf32>
      %broadcast_in_dim3A_247 = vector.broadcast %squeeze3A_246 : f32 to vector<16xf32>
      %select_n3A_248 = arith.select %eq3A_244, %broadcast_in_dim3A_247, %select_n3A_241 : vector<16xi1>, vector<16xf32>
      %swap3A = arith.constant 0 : index
      %swap3A_249 = tpu.vector_load %arg5[%swap3A] {strides = array<i32>} : memref<16xf32, #tpu.memory_space<vmem>>, vector<16xf32>,
      tpu.vector_store %arg5[%swap3A], %select_n3A_248 {strides = array<i32>} : memref<16xf32, #tpu.memory_space<vmem>>, vector<16xf32>,
      "tpu.region"() ({
        %run_scoped3A = tpu.sem_alloc : memref<!tpu.dma_semaphore, #tpu.memory_space<semaphore_mem>>
        tpu.enqueue_dma source(%arg5 : memref<16xf32, #tpu.memory_space<vmem>>) target(%arg3 : memref<16xf32, #tpu.memory_space<hbm>>) target_semaphore(%run_scoped3A : memref<!tpu.dma_semaphore, #tpu.memory_space<semaphore_mem>>)
        tpu.wait_dma2 semaphore(%run_scoped3A : memref<!tpu.dma_semaphore, #tpu.memory_space<semaphore_mem>>) src(%arg5 : memref<16xf32, #tpu.memory_space<vmem>>) dst(%arg3 : memref<16xf32, #tpu.memory_space<hbm>>)
        tpu.yield
      }) : () -> ()
    } else {
    }
    return
  }
}

module attributes {stable_mosaic.version = 14 : i64} {
  func.func @_topk_sum_kernel(%arg0: memref<1152x1024xf32, #tpu.memory_space<vmem>>, %arg1: memref<1152x1024xf32, #tpu.memory_space<vmem>>, %arg2: memref<1xi32, #tpu.memory_space<smem>>, %arg3: memref<1xf32, #tpu.memory_space<smem>>, %arg4: memref<1152x1024xi32, #tpu.memory_space<vmem>>) attributes {dimension_semantics = [], scalar_prefetch = 0 : i64, scratch_operands = 1 : i64, tpu.core_type = #tpu.core_type<tc>} {
    %get3A = arith.constant 0 : index
    %get3A_0 = arith.constant 0 : index
    %get3A_1 = vector.load %arg0[%get3A, %get3A_0] : memref<1152x1024xf32, #tpu.memory_space<vmem>>, vector<1152x1024xf32>
    %get3A_2 = arith.constant 0 : index
    %get3A_3 = arith.constant 0 : index
    %get3A_4 = vector.load %arg1[%get3A_2, %get3A_3] : memref<1152x1024xf32, #tpu.memory_space<vmem>>, vector<1152x1024xf32>
    %sub3A = arith.subf %get3A_1, %get3A_4 : vector<1152x1024xf32>
    %mul3A = arith.mulf %sub3A, %sub3A : vector<1152x1024xf32>
    %le3A = arith.constant 0.000000e+00 : f32
    %le3A_5 = vector.broadcast %le3A : f32 to vector<1152x1024xf32>
    %le3A_6 = arith.cmpf ole, %get3A_4, %le3A_5 : vector<1152x1024xf32>
    %bitcast_convert_type3A = tpu.bitcast %mul3A : vector<1152x1024xf32> -> vector<1152x1024xi32>
    %add3A = arith.constant 1 : i32
    %add3A_7 = vector.broadcast %add3A : i32 to vector<1152x1024xi32>
    %add3A_8 = arith.addi %bitcast_convert_type3A, %add3A_7 : vector<1152x1024xi32>
    %jit3A = arith.constant 0 : i32
    %broadcast_in_dim3A = vector.broadcast %jit3A : i32 to vector<1152x1024xi32>
    %select_n3A = arith.select %le3A_6, %add3A_8, %broadcast_in_dim3A : vector<1152x1024xi1>, vector<1152x1024xi32>
    %swap3A = arith.constant 0 : index
    %swap3A_9 = arith.constant 0 : index
    %swap3A_10 = vector.load %arg4[%swap3A, %swap3A_9] : memref<1152x1024xi32, #tpu.memory_space<vmem>>, vector<1152x1024xi32>
    tpu.vector_store %arg4[%swap3A, %swap3A_9], %select_n3A {strides = array<i32>} : memref<1152x1024xi32, #tpu.memory_space<vmem>>, vector<1152x1024xi32>,
    %get3A_11 = arith.constant 0 : index
    %get3A_12 = memref.load %arg2[%get3A_11] : memref<1xi32, #tpu.memory_space<smem>>
    %scan3A = arith.constant 0 : i32
    %scan3A_13 = arith.constant 0 : i32
    %scan3A_14 = arith.constant 31 : i32
    %scan3A_15 = arith.addi %scan3A_13, %scan3A_14 : i32
    %scan3A_16 = arith.constant 1 : i32
    %scan3A_17 = scf.for %scan3A_53 = %scan3A_13 to %scan3A_15 step %scan3A_16 iter_args(%scan3A_54 = %scan3A) -> (i32)  : i32 {
      %sub3A_55 = arith.constant 30 : i32
      %sub3A_56 = arith.subi %sub3A_55, %scan3A_53 : i32
      %shift_left3A = arith.constant 1 : i32
      %shift_left3A_57 = arith.shli %shift_left3A, %sub3A_56 : i32
      %or3A = arith.ori %scan3A_54, %shift_left3A_57 : i32
      %get3A_58 = arith.constant 0 : index
      %get3A_59 = arith.constant 0 : index
      %get3A_60 = vector.load %arg4[%get3A_58, %get3A_59] : memref<1152x1024xi32, #tpu.memory_space<vmem>>, vector<1152x1024xi32>
      %ge3A_61 = vector.broadcast %or3A : i32 to vector<1152x1024xi32>
      %ge3A_62 = arith.cmpi sge, %get3A_60, %ge3A_61 : vector<1152x1024xi32>
      %convert_element_type3A_63 = arith.extui %ge3A_62 : vector<1152x1024xi1> to vector<1152x1024xi32>
      %reduce_sum3A_64 = vector.shape_cast %convert_element_type3A_63 : vector<1152x1024xi32> to vector<1x1152x1024xi32>
      %reduce_sum3A_65 = arith.constant dense<0> : vector<1xi32>
      %reduce_sum3A_66 = vector.multi_reduction <add>, %reduce_sum3A_64, %reduce_sum3A_65 [1, 2] : vector<1x1152x1024xi32> to vector<1xi32>
      %reduce_sum3A_67 = vector.shape_cast %reduce_sum3A_66 : vector<1xi32> to vector<1x1x1xi32>
      %reduce_sum3A_68 = vector.extract %reduce_sum3A_67[0, 0, 0] : i32 from vector<1x1x1xi32>
      %ge3A_69 = arith.cmpi sge, %reduce_sum3A_68, %get3A_12 : i32
      %select_n3A_70 = arith.select %ge3A_69, %or3A, %scan3A_54 : i32
      scf.yield %select_n3A_70 : i32
    }
    %scan3A_18 = arith.constant 31 : i32
    %get3A_19 = arith.constant 0 : index
    %get3A_20 = arith.constant 0 : index
    %get3A_21 = vector.load %arg4[%get3A_19, %get3A_20] : memref<1152x1024xi32, #tpu.memory_space<vmem>>, vector<1152x1024xi32>
    %add3A_22 = arith.constant 1 : i32
    %add3A_23 = arith.addi %scan3A_17, %add3A_22 : i32
    %ge3A = vector.broadcast %add3A_23 : i32 to vector<1152x1024xi32>
    %ge3A_24 = arith.cmpi sge, %get3A_21, %ge3A : vector<1152x1024xi32>
    %convert_element_type3A = arith.extui %ge3A_24 : vector<1152x1024xi1> to vector<1152x1024xi32>
    %reduce_sum3A = vector.shape_cast %convert_element_type3A : vector<1152x1024xi32> to vector<1x1152x1024xi32>
    %reduce_sum3A_25 = arith.constant dense<0> : vector<1xi32>
    %reduce_sum3A_26 = vector.multi_reduction <add>, %reduce_sum3A, %reduce_sum3A_25 [1, 2] : vector<1x1152x1024xi32> to vector<1xi32>
    %reduce_sum3A_27 = vector.shape_cast %reduce_sum3A_26 : vector<1xi32> to vector<1x1x1xi32>
    %reduce_sum3A_28 = vector.extract %reduce_sum3A_27[0, 0, 0] : i32 from vector<1x1x1xi32>
    %sub3A_29 = arith.constant 1 : i32
    %sub3A_30 = vector.broadcast %sub3A_29 : i32 to vector<1152x1024xi32>
    %sub3A_31 = arith.subi %get3A_21, %sub3A_30 : vector<1152x1024xi32>
    %bitcast_convert_type3A_32 = tpu.bitcast %sub3A_31 : vector<1152x1024xi32> -> vector<1152x1024xf32>
    %jit3A_33 = arith.constant 0.000000e+00 : f32
    %broadcast_in_dim3A_34 = vector.broadcast %jit3A_33 : f32 to vector<1152x1024xf32>
    %select_n3A_35 = arith.select %ge3A_24, %bitcast_convert_type3A_32, %broadcast_in_dim3A_34 : vector<1152x1024xi1>, vector<1152x1024xf32>
    %reduce_sum3A_36 = vector.shape_cast %select_n3A_35 : vector<1152x1024xf32> to vector<1x1152x1024xf32>
    %reduce_sum3A_37 = arith.constant dense<0.000000e+00> : vector<1xf32>
    %reduce_sum3A_38 = vector.multi_reduction <add>, %reduce_sum3A_36, %reduce_sum3A_37 [1, 2] : vector<1x1152x1024xf32> to vector<1xf32>
    %reduce_sum3A_39 = vector.shape_cast %reduce_sum3A_38 : vector<1xf32> to vector<1x1x1xf32>
    %reduce_sum3A_40 = vector.extract %reduce_sum3A_39[0, 0, 0] : f32 from vector<1x1x1xf32>
    %sub3A_41 = arith.constant 1 : i32
    %sub3A_42 = arith.subi %scan3A_17, %sub3A_41 : i32
    %bitcast_convert_type3A_43 = arith.bitcast %sub3A_42 : i32 to f32
    %sub3A_44 = arith.subi %get3A_12, %reduce_sum3A_28 : i32
    %convert_element_type3A_45 = arith.sitofp %sub3A_44 : i32 to f32
    %mul3A_46 = arith.mulf %convert_element_type3A_45, %bitcast_convert_type3A_43 : f32
    %add3A_47 = arith.addf %reduce_sum3A_40, %mul3A_46 : f32
    %gt3A = arith.constant 0 : i32
    %gt3A_48 = arith.cmpi sgt, %get3A_12, %gt3A : i32
    %jit3A_49 = arith.constant 0.000000e+00 : f32
    %select_n3A_50 = arith.select %gt3A_48, %add3A_47, %jit3A_49 : f32
    %swap3A_51 = arith.constant 0 : index
    %swap3A_52 = memref.load %arg3[%swap3A_51] : memref<1xf32, #tpu.memory_space<smem>>
    memref.store %select_n3A_50, %arg3[%swap3A_51] : memref<1xf32, #tpu.memory_space<smem>>
    return
  }
}

</mosaic_0001>

<sc_bundles>
// kernel: kernel.4.cloned.1.call-start
scs
__scs_entry_jumppad:
0x0: {  	(pc) =	sbr.rel $0x88, $3  }
0x1: {  	(tag) =	ssettag $0x0;
	lr =	simm.s32 $0x1  }
0x2: {  	[smem:$0x3F9E] =	sst lr;
	_ =	strace $0xD0000000  }
0x3: {  	_ = 	snop  }
0x4: {  	_ = 	snop  }
0x5: {  	_ = 	snop  }
0x6: {  	_ = 	snop  }
0x7: {  	_ = 	snop  }
__scs_overlays_trampoline_lowered:
0x8: {  	[smem:$0x3FAD] =	sst s0  }
0x9: {  	[smem:$0x3FAE] =	sst s1  }
0xa: {  	[smem:$0x3FAF] =	sst s2  }
0xb: {  	[smem:$0x3FB0] =	sst s3  }
0xc: {  	[smem:$0x3FB1] =	sst s4  }
0xd: {  	[smem:$0x3FB2] =	sst s5  }
0xe: {  	[smem:$0x3FB3] =	sst s6  }
0xf: {  	[smem:$0x3FB4] =	sst s7  }
0x10: {  	[smem:$0x3FB5] =	sst s8  }
0x11: {  	[smem:$0x3FB6] =	sst s9;
	s0 =	simm.s32 @!p0 $0x0  }
0x12: {  	s1 =	sld [smem:$0x3F9C];
	s0 =	simm.s32 @p0 $0x1  }
0x13: {  	[smem:$0x3FB7] =	sst s0;
	s0 =	simm.s32 @!p1 $0x0  }
0x14: {  	s2 =	sld [smem:$0x3F9B];
	s0 =	simm.s32 @p1 $0x1  }
0x15: {  	[smem:$0x3FB8] =	sst s0;
	s0 =	simm.s32 @!p2 $0x0  }
0x16: {  	s3 =	sld [smem:$0x3FDB];
	s0 =	simm.s32 @p2 $0x1  }
0x17: {  	s4 =	simm.s32 $0x1BF5;
	[smem:$0x3FBA] =	sst s0  }
0x18: {  	s0 =	sld [smem:$0x3F9D];
	_ =	swait.ge [sflag:s4], $0x0  }
0x19: {  	s7 =	sld [smem:$0x3F9E]  }
0x1a: {  	s8 =	sadd.s32 $0xFFFFE003, lr  }
0x1b: {  	s9 =	sadd.s32 $0xFFFFFEF7, lr;
	s5 =	simm.s32 $0xFFFFFFFF;
	p2 =	slt.u32 s8, $0xFFFFF086  }
0x1c: {  	p1 =	slt.u32 s9, $0xF7A;
	s5 =	simm.s32 @!p2 $0x0  }
0x1d: {  	s5 =	simm.s32 @p1 $0x1;
	p0 =	seq.s32 s7, s2  }
0x1e: {  	s7 =	smul.u32 @!p0 $0xF7A, s2;
	p2 =	seq.s32 @!p0 s5, $0x0  }
0x1f: {  	s9 =	smul.u32 $0xF7A, s1;
	s8 =	simm.s32 @!p0 $0x1BF5;
	p2 =	por !p2, p0  }
0x20: {  	[sflag:s8] =	ssyncset.s32 @!p0 $0xFFFFF086;
	s6 =	sadd.s32 @!p0 s3, s7;
	s7 =	simm.s32 @!p0 $0x108  }
0x21: {  	s3 =	sadd.s32 s3, s9;
	s6 =	sadd.s32 @!p0 $0x88, s6;
	s7 =	simm.s32 @p2 $0x1082  }
0x22: {  	[simem:s7], [sflag:s8] =	dma.local @!p0 [hbm:s6], $0xF7A  }
0x23: {  	s9 =	sor.u32 $0xD0000000, s2;
	s6 =	simm.s32 $0x108;
	_ =	swait.ge @!p0 [sflag:s8], $0x0  }
0x24: {  	s3 =	sadd.s32 $0x88, s3;
	s6 =	simm.s32 @!p1 $0x1082;
	[sflag:s4] =	ssyncset.s32 $0xFFFFF086  }
0x25: {  	[simem:s6], [sflag:s4] =	dma.local [hbm:s3], $0xF7A  }
0x26: {  	[smem:$0x3F9E] =	sst s1;
	(tag) =	ssettag s2;
	_ =	strace s9  }
0x27: {  	s1 =	sld [smem:$0x3FAE]  }
0x28: {  	s2 =	sld [smem:$0x3FAF]  }
0x29: {  	s4 =	sld [smem:$0x3FB1]  }
0x2a: {  	p0 =	seq.s32 s5, $0x0;
	s5 =	sld [smem:$0x3FB2]  }
0x2b: {  	s6 =	sld [smem:$0x3FB3]  }
0x2c: {  	s7 =	sld [smem:$0x3FB4]  }
0x2d: {  	s3 =	simm.s32 $0x108;
	s8 =	sld [smem:$0x3FB5]  }
0x2e: {  	s3 =	simm.s32 @!p0 $0x1082;
	s9 =	sld [smem:$0x3FB6]  }
0x2f: {  	lr =	sadd.s32 s0, s3;
	s0 =	sld [smem:$0x3FAD]  }
0x30: {  	s3 =	sld [smem:$0x3FB0]  }
0x31: {  	[smem:$0x3FB9] =	sst s10  }
0x32: {  	s10 =	sld [smem:$0x3FB7];
	_ =	sdelay $0x3  }
0x33: {  	p0 =	seq.s32 s10, $0x1;
	s10 =	sld [smem:$0x3FB9];
	_ =	sdelay $0x3  }
0x34: {  	[smem:$0x3FB9] =	sst s10  }
0x35: {  	s10 =	sld [smem:$0x3FB8];
	_ =	sdelay $0x3  }
0x36: {  	p1 =	seq.s32 s10, $0x1;
	s10 =	sld [smem:$0x3FB9];
	_ =	sdelay $0x3  }
0x37: {  	[smem:$0x3FB9] =	sst s10  }
0x38: {  	s10 =	sld [smem:$0x3FBA]  }
0x39: {  	_ = 	snop;
	(pc) =	sbr.ind lr, $3  }
0x3a: {  	_ = 	snop  }
0x3b: {  	_ = 	snop  }
0x3c: {  	p2 =	seq.s32 s10, $0x1;
	s10 =	sld [smem:$0x3FB9]  }
0x3d: {  	_ =	shalt  }
0x3e: {  	_ =	shalt  }
0x3f: {  	_ =	shalt  }
0x40: {  	_ =	shalt  }
0x41: {  	_ =	shalt  }
0x42: {  	_ =	shalt  }
0x43: {  	_ =	shalt  }
0x44: {  	_ =	shalt  }
0x45: {  	_ =	shalt  }
0x46: {  	_ =	shalt  }
0x47: {  	_ =	shalt  }
0x48: {  	_ =	shalt  }
0x49: {  	_ =	shalt  }
0x4a: {  	_ =	shalt  }
0x4b: {  	_ =	shalt  }
0x4c: {  	_ =	shalt  }
0x4d: {  	_ =	shalt  }
0x4e: {  	_ =	shalt  }
0x4f: {  	_ =	shalt  }
0x50: {  	_ =	shalt  }
0x51: {  	_ =	shalt  }
0x52: {  	_ =	shalt  }
0x53: {  	_ =	shalt  }
0x54: {  	_ =	shalt  }
0x55: {  	_ =	shalt  }
0x56: {  	_ =	shalt  }
0x57: {  	_ =	shalt  }
0x58: {  	_ =	shalt  }
0x59: {  	_ =	shalt  }
0x5a: {  	_ =	shalt  }
0x5b: {  	_ =	shalt  }
0x5c: {  	_ =	shalt  }
0x5d: {  	_ =	shalt  }
0x5e: {  	_ =	shalt  }
0x5f: {  	_ =	shalt  }
0x60: {  	_ =	shalt  }
0x61: {  	_ =	shalt  }
0x62: {  	_ =	shalt  }
0x63: {  	_ =	shalt  }
0x64: {  	_ =	shalt  }
0x65: {  	_ =	shalt  }
0x66: {  	_ =	shalt  }
0x67: {  	_ =	shalt  }
0x68: {  	_ =	shalt  }
0x69: {  	_ =	shalt  }
0x6a: {  	_ =	shalt  }
0x6b: {  	_ =	shalt  }
0x6c: {  	_ =	shalt  }
0x6d: {  	_ =	shalt  }
0x6e: {  	_ =	shalt  }
0x6f: {  	_ =	shalt  }
0x70: {  	_ =	shalt  }
0x71: {  	_ =	shalt  }
0x72: {  	_ =	shalt  }
0x73: {  	_ =	shalt  }
0x74: {  	_ =	shalt  }
0x75: {  	_ =	shalt  }
0x76: {  	_ =	shalt  }
0x77: {  	_ =	shalt  }
0x78: {  	_ =	shalt  }
0x79: {  	_ =	shalt  }
0x7a: {  	_ =	shalt  }
0x7b: {  	_ =	shalt  }
0x7c: {  	_ =	shalt  }
0x7d: {  	_ =	shalt  }
0x7e: {  	_ =	shalt  }
0x7f: {  	_ =	shalt  }
0x80: {  	_ =	shalt  }
0x81: {  	_ =	shalt  }
0x82: {  	_ =	shalt  }
0x83: {  	_ =	shalt  }
0x84: {  	_ =	shalt  }
0x85: {  	_ =	shalt  }
0x86: {  	_ =	shalt  }
0x87: {  	_ =	shalt  }
.Lfunc_end0:
.L_simem_size_0:
called_computation_lowered:
.L_overlay_start_0:
0x88: {  	s2 =	sld [smem:$0x3FD9]  }
0x89: {  	s3 =	sld [smem:$0x3FFE];
	_ =	sdelay $0x1  }
0x8a: {  	s1 =	srdreg.scid  }
0x8b: {  	s0 =	sand.u32 $0x1, s1  }
0x8c: {  	s16 =	sshll.u32 s0, $0xA;
	s2 =	sadd.s32 s3, s2  }
0x8d: {  	s2 =	sadd.s32 s2, s16  }
0x8e: {  	[smem:$0x3FC5] =	sst s2  }
0x8f: {  	_ = 	snop  }
0x90: {  	(tm) =	ssettm $0x1  }
0x91: {  	s17 =	sld [smem:$0x3FFB];
	_ =	sdelay $0x3  }
0x92: {  	_ =	strace s17  }
0x93: {  	s2 =	sld [smem:$0x3FFC];
	_ =	sdelay $0x3  }
0x94: {  	_ =	strace s2  }
0x95: {  	s2 =	sld [smem:$0x3FFD];
	_ =	sdelay $0x3  }
0x96: {  	_ =	strace s2  }
0x97: {  	_ =	strace $0x8FFFFFFF  }
0x98: {  	s18 =	sld [smem:$0x3FDB];
	_ =	sdelay $0x1  }
0x99: {  	s19 =	simm.s32 $_scs_section_size  }
0x9a: {  	s4 =	simm.s32 $_size__tile_overlayer_lowered;
	s5 =	simm.s32 $_tile_overlayer_lowered  }
0x9b: {  	s22 =	simm.s32 $0x1BFF;
	s21 =	sshll.u32 s5, $0x1;
	s2 =	sadd.s32 s19, s18  }
0x9c: {  	s6 =	simm.s32 $0x0;
	s20 =	sshll.u32 s4, $0x1;
	s4 =	sadd.s32 s21, s2  }
0x9d: {  	[timem:s6], [sflag:s22] =	dma.local [hbm:s4], s20  }
0x9e: {  	_ =	swait.ge [sflag:s22], s20  }
0x9f: {  	s3 =	ssub.s32 $0x0, s20;
	[sflag:s22] =	ssyncset.done $0x0  }
0xa0: {  	[sflag:s22] =	ssyncadd.s32 s3;
	_ =	sdelay $0x1  }
0xa1: {  	s23 =	simm.s32 $0x1B8B  }
0xa2: {  	_ =	swait.ge [sflag:s23], $0x1  }
0xa3: {  	[sflag:s23] =	ssyncset.done $0x0  }
0xa4: {  	s25 =	simm.s32 $0x1B8E;
	s24 =	sld [smem:$0x3FFE];
	[sflag:s23] =	ssyncadd.s32 $0xFFFFFFFF  }
0xa5: {  	s26 =	simm.s32 $execute0_lowered;
	[smem:$0x3FD2] =	sst s25  }
0xa6: {  	s4 =	sshll.u32 s26, $0x1;
	_ =	strace $0x80000046;
	[dreg:$0x1] =	wrdreg $0xFFFFFFFF  }
0xa7: {  	s28 =	simm.s32 $_size_execute0_lowered;
	s2 =	sadd.s32 s2, s4;
	[dreg:$0x0] =	wrdreg $0x0  }
0xa8: {  	s4 =	sshll.u32 s28, $0x1;
	[dreg:$0x2] =	wrdreg s2  }
0xa9: {  	[dreg:$0x3] =	wrdreg s4  }
0xaa: {  	[dreg:$0x4] =	wrdreg $0xC0  }
0xab: {  	_ =	task [dreg:s6], $0x5FFFF  }
0xac: {  	[dreg:$0x1] =	wrdreg $0xFFFFFFFF  }
0xad: {  	[dreg:$0x0] =	wrdreg $0x60  }
0xae: {  	[dreg:$0x2] =	wrdreg s24  }
0xaf: {  	[dreg:$0x3] =	wrdreg $0x9  }
0xb0: {  	_ =	task.clear_ibuf [dreg:s6], $0x4FFFF;
	_ =	strace $0x90000046  }
0xb1: {  	s29 =	simm.s32 $0x9;
	_ =	strace $0x80000048  }
0xb2: {  	_ =	swait.ge [sflag:s29], $0x1  }
0xb3: {  	[sflag:s29] =	ssyncadd.s32 $0xFFFFFFFF  }
0xb4: {  	_ =	strace $0x90000048  }
0xb5: {  	_ =	sfence  }
0xb6: {  	s30 =	sld [smem:$0x0];
	_ =	sdelay $0x2  }
0xb7: {  	s31 =	sshll.u32 s1, $0xD;
	s1 =	sshrl.u32 s1, $0x2  }
0xb8: {  	s3 =	sand.u32 $0x4000, s31;
	s1 =	sadd.s32 s1, s30  }
0xb9: {  	s0 =	sor.u32 s3, s0;
	s1 =	sshll.u32 s1, $0x11  }
0xba: {  	s0 =	sor.u32 s1, s0  }
0xbb: {  	s0 =	sadd.s32 $0x8F2B, s0  }
0xbc: {  	[sflag:s0] =	ssyncadd.remote.s32 $0x1  }
0xbd: {  	_ =	sfence.sel $0xFFFF  }
0xbe: {  	[dreg:$0x0] =	wrdreg $0xFFFFFFFF;
	(pc) =	sbr.abs _section_cstart, $3  }
0xbf: {  	[dreg:$0x1] =	wrdreg $0xFFFFFFFF  }
0xc0: {  	_ =	task.clear_ibuf [dreg:s6], $0x2FFFF;
	_ =	strace $0x9FFFFFFF  }
0xc1: {  	(tm) =	ssettm $0x7FFFFFFF  }
tec
execute0_lowered:
.L_overlay_start_1:
0x0: {  	(tag) =	ssettag $0x1  }
0x1: {  	s0 =	rddreg [dreg:$0x0];
	s2 =	simm.s32 $0x0  }
0x2: {  	s1 =	srdreg.scid;
	s3 =	stileid.u32;
	s21 =	simm.s32 $0x4800  }
0x3: {  	s22 =	simm.s32 $0x9000;
	s23 =	simm.s32 $0xD800;
	s24 =	simm.s32 $0x1  }
0x4: {  	s25 =	simm.s32 $0x2400;
	s26 =	simm.s32 $0x6C00;
	s28 =	simm.s32 $0xB400  }
0x5: {  	s29 =	simm.s32 $0xFC00;
	s30 =	simm.s32 $0x2;
	[smem:$0x7FF] =	sst s2  }
0x6: {  	s1 =	sand.u32 $0x1, s1;
	s3 =	sshll.u32 s3, $0x1;
	s15 =	sadd.s32 $0x26400, s0  }
0x7: {  	s16 =	sadd.s32 $0x2400, s0;
	s17 =	sadd.s32 $0x4A400, s0;
	s3 =	sor.u32 s1, s3  }
0x8: {  	s18 =	sadd.s32 $0x6E400, s0;
	s1 =	ssub.s32 $0x2, s1;
	s4 =	smul.u32 $0x9000, s3  }
0x9: {  	_ =	strace $0x80000047;
	s3 =	sshll.u32 s3, $0x4;
	s5 =	sshrl.u32 s1, $0x1  }
0xa: {  	s0 =	sadd.s32 s3, s0;
	s1 =	ssub.s32 s1, s5;
	s31 =	sshrl.u32 s4, $0x3  }
0xb: {  	s19 =	sadd.s32 $0x92400, s0;
	s20 =	smax.u32 s1, $0x1;
	s0 =	simm.s32 $0x3  }
0xc: {  	s1 =	simm.s32 $0x0;
	s4 =	sadd.s32 s15, s31;
	s10 =	sadd.s32 $0x480, s31  }
0xd: {  	s5 =	sadd.s32 s17, s31;
	s6 =	sadd.s32 s18, s31;
	s14 =	sadd.s32 $0x900, s31  }
0xe: {  	s3 =	sadd.s32 $0xD80, s31;
	[dreg:$0x2] =	wrdreg s4;
	s4 =	sadd.s32 s16, s31  }
0xf: {  	s7 =	sadd.s32 s15, s10;
	s8 =	sadd.s32 s16, s10;
	s9 =	sadd.s32 s17, s10  }
0x10: {  	s10 =	sadd.s32 s18, s10;
	s11 =	sadd.s32 s15, s14;
	s12 =	sadd.s32 s16, s14  }
0x11: {  	vm0 =	vmmov $0x1;
	vm1 =	vcmask $0x320;
	s13 =	sadd.s32 s17, s14;
	s14 =	sadd.s32 s18, s14;
	s15 =	sadd.s32 s15, s3  }
0x12: {  	v0 =	vlaneseq.u32;
	vm2 =	vcmask $0x1310;
	vm3 =	vcmask $0x1320;
	s16 =	sadd.s32 s16, s3;
	s17 =	sadd.s32 s17, s3;
	s18 =	sadd.s32 s18, s3  }
.LBB2_1:
0x13: {  	s3 =	rddreg [dreg:$0x2]  }
0x14: {  	[tilespmem:s2], [sflag:$0x1] =	stream.linear.gather [hbm4b:s3+s2], $0x2400, $0x38;
	[tilespmem:$0x12080] =	vst v63  }
0x15: {  	_ = 	snop  }
0x16: {  	[tilespmem:s21], [sflag:$0x1] =	stream.linear.gather [hbm4b:s4+s2], $0x2400, $0x38;
	[tilespmem:$0x12080] =	vst v63  }
0x17: {  	_ = 	snop  }
0x18: {  	[tilespmem:s22], [sflag:$0x1] =	stream.linear.gather [hbm4b:s5+s2], $0x2400, $0x38;
	[tilespmem:$0x12080] =	vst v63  }
0x19: {  	_ = 	snop  }
0x1a: {  	[tilespmem:s23], [sflag:$0x1] =	stream.linear.gather [hbm4b:s6+s2], $0x2400, $0x38;
	[tilespmem:$0x12080] =	vst v63  }
0x1b: {  	_ =	swait.ge [sflag:s24], $0x2400  }
0x1c: {  	[sflag:s24] =	ssyncset.done $0x0  }
0x1d: {  	[sflag:s24] =	ssyncadd.s32 $0xFFFFDC00  }
0x1e: {  	_ =	swait.ge [sflag:s24], $0x2400  }
0x1f: {  	[sflag:s24] =	ssyncset.done $0x0  }
0x20: {  	[sflag:s24] =	ssyncadd.s32 $0xFFFFDC00  }
0x21: {  	_ =	swait.ge [sflag:s24], $0x2400  }
0x22: {  	[sflag:s24] =	ssyncset.done $0x0  }
0x23: {  	[sflag:s24] =	ssyncadd.s32 $0xFFFFDC00  }
0x24: {  	_ =	swait.ge [sflag:s24], $0x2400  }
0x25: {  	[sflag:s24] =	ssyncset.done $0x0  }
0x26: {  	[sflag:s24] =	ssyncadd.s32 $0xFFFFDC00  }
0x27: {  	[tilespmem:s25], [sflag:$0x2] =	stream.linear.gather [hbm4b:s7+s2], $0x2400, $0x38;
	[tilespmem:$0x12080] =	vst v63  }
0x28: {  	_ = 	snop  }
0x29: {  	[tilespmem:s26], [sflag:$0x2] =	stream.linear.gather [hbm4b:s8+s2], $0x2400, $0x38;
	[tilespmem:$0x12080] =	vst v63  }
0x2a: {  	_ = 	snop  }
0x2b: {  	[tilespmem:s28], [sflag:$0x2] =	stream.linear.gather [hbm4b:s9+s2], $0x2400, $0x38;
	[tilespmem:$0x12080] =	vst v63  }
0x2c: {  	s3 =	simm.s32 $0x0  }
0x2d: {  	[tilespmem:s29], [sflag:$0x2] =	stream.linear.gather [hbm4b:s10+s2], $0x2400, $0x38;
	[tilespmem:$0x12080] =	vst v63  }
0x2e: {  	v1 =	vld [tilespmem:s3+$0x4800]  }
0x2f: {  	v7 =	vld [tilespmem:s3+$0xD800]  }
0x30: {  	v3 =	vld [tilespmem:s3+$0x0]  }
0x31: {  	v12 =	vld [tilespmem:s3+$0x9000];
	_ =	sdelay $0x1  }
0x32: {  	v5 =	vimm.f32 $0.0e+00;
	v2 =	vimm.s32 $0x0  }
0x33: {  	v10 =	vimm.f32 $0.0e+00;
	v8 =	vimm.f32 $0.0e+00;
	v9 =	vimm.f32 $0.0e+00  }
0x34: {  	v6 =	vimm.s32 $0x0;
	v4 =	vsub.f32 v1, v7;
	vm4 =	vge.f32 v7, $1.000000010e-01  }
0x35: {  	s3 =	simm.s32 $0x10;
	v14 =	vsub.f32 v3, v12;
	vm5 =	vge.f32 v12, $1.000000010e-01;
	v3 =	vimm.s32 $0x0  }
0x36: {  	s31 =	simm.s32 $0x80;
	v11 =	vld [tilespmem:s3+$0x4800];
	v1 =	vmpcnt.ones.xlane vm4;
	v13 =	vmul.f32 v4, v4;
	v4 =	vimm.s32 $0x0  }
.LBB2_2:
0x37: {  	p0 =	sne.s32 s31, $0x8FC0;
	vm6 =	vle.f32 v12, $0.0e+00;
	v15 =	vmpcnt.ones.xlane vm5;
	vm7 =	vle.f32 v7, $0.0e+00;
	v7 =	vld [tilespmem:s3+$0xD800]  }
0x38: {  	v16 =	vld [tilespmem:s3+$0x0];
	v14 =	vmul.f32 v14, v14;
	v17 =	vmpcnt.ones.xlane vm6;
	v18 =	vnsel vm7, $0x0, v13  }
0x39: {  	v13 =	vnsel vm4, $0x0, v13;
	v12 =	vld [tilespmem:s3+$0x9000];
	v5 =	vadd.f32 v18, v5;
	v18 =	vmpcnt.ones.xlane vm7  }
.Ltmp0:
0x3a: {  	v10 =	vadd.f32 v13, v10;
	v19 =	vnsel vm5, $0x0, v14;
	v14 =	vnsel vm6, $0x0, v14;
	(pc) =	sbr.rel @p0 .LBB2_2-.Ltmp0, $4  }
0x3b: {  	v2 =	vadd.s32 v2, v15;
	v8 =	vadd.f32 v19, v8;
	v9 =	vadd.f32 v14, v9  }
0x3c: {  	v6 =	vadd.s32 v6, v17;
	v13 =	vsub.f32 v11, v7;
	vm4 =	vge.f32 v7, $1.000000010e-01  }
0x3d: {  	v3 =	vadd.s32 v3, v1;
	s3 =	sshra.s32 s31, $0x2;
	v4 =	vadd.s32 v4, v18;
	v1 =	vmpcnt.ones.xlane vm4  }
0x3e: {  	s31 =	sadd.s32 $0x40, s31;
	v11 =	vld [tilespmem:s3+$0x4800];
	v14 =	vsub.f32 v16, v12;
	vm5 =	vge.f32 v12, $1.000000010e-01;
	v13 =	vmul.f32 v13, v13  }
0x3f: {  	v15 =	vld [tilespmem:s3+$0xD800]  }
0x40: {  	v16 =	vld [tilespmem:s3+$0x0]  }
0x41: {  	v17 =	vld [tilespmem:s3+$0x9000];
	_ =	swait.ge [sflag:s30], $0x2400  }
0x42: {  	[sflag:s30] =	ssyncset.done $0x0  }
0x43: {  	[sflag:s30] =	ssyncadd.s32 $0xFFFFDC00  }
0x44: {  	_ =	swait.ge [sflag:s30], $0x2400  }
0x45: {  	[sflag:s30] =	ssyncset.done $0x0  }
0x46: {  	[sflag:s30] =	ssyncadd.s32 $0xFFFFDC00  }
0x47: {  	_ =	swait.ge [sflag:s30], $0x2400  }
0x48: {  	[sflag:s30] =	ssyncset.done $0x0  }
0x49: {  	[sflag:s30] =	ssyncadd.s32 $0xFFFFDC00  }
0x4a: {  	_ =	swait.ge [sflag:s30], $0x2400  }
0x4b: {  	[sflag:s30] =	ssyncset.done $0x0  }
0x4c: {  	s3 =	simm.s32 $0x0;
	[sflag:s30] =	ssyncadd.s32 $0xFFFFDC00  }
0x4d: {  	[tilespmem:s3], [sflag:$0x1] =	stream.linear.gather [hbm4b:s11+s3], $0x2400, $0x38;
	[tilespmem:$0x12080] =	vst v63  }
0x4e: {  	_ = 	snop  }
0x4f: {  	vm6 =	vle.f32 v12, $0.0e+00;
	v12 =	vmpcnt.ones.xlane vm5;
	vm7 =	vle.f32 v7, $0.0e+00;
	[tilespmem:s21], [sflag:$0x1] =	stream.linear.gather [hbm4b:s12+s3], $0x2400, $0x38;
	[tilespmem:$0x12080] =	vst v63  }
0x50: {  	v3 =	vadd.s32 v3, v1;
	v7 =	vmul.f32 v14, v14;
	v14 =	vmpcnt.ones.xlane vm6  }
0x51: {  	v18 =	vnsel vm7, $0x0, v13;
	v13 =	vnsel vm4, $0x0, v13;
	v60 =	vmpcnt.ones.xlane vm7;
	[tilespmem:s22], [sflag:$0x1] =	stream.linear.gather [hbm4b:s13+s3], $0x2400, $0x38;
	[tilespmem:$0x12080] =	vst v63  }
0x52: {  	v5 =	vadd.f32 v18, v5;
	v10 =	vadd.f32 v13, v10;
	v19 =	vnsel vm5, $0x0, v7  }
0x53: {  	v2 =	vadd.s32 v2, v12;
	v7 =	vnsel vm6, $0x0, v7;
	v13 =	vadd.f32 v19, v8;
	[tilespmem:s23], [sflag:$0x1] =	stream.linear.gather [hbm4b:s14+s3], $0x2400, $0x38;
	[tilespmem:$0x12080] =	vst v63  }
0x54: {  	v18 =	vadd.s32 v4, v60;
	v7 =	vadd.f32 v7, v9;
	v8 =	vsub.f32 v11, v15;
	s3 =	simm.s32 $0x0  }
0x55: {  	vm4 =	vge.f32 v15, $1.000000010e-01;
	v11 =	vadd.s32 v6, v14;
	v1 =	vsub.f32 v16, v17;
	v61 =	vld [tilespmem:s3+$0x6C00]  }
0x56: {  	vm5 =	vge.f32 v17, $1.000000010e-01;
	vm6 =	vle.f32 v17, $0.0e+00;
	v4 =	vmul.f32 v8, v8;
	v8 =	vld [tilespmem:s3+$0xFC00]  }
0x57: {  	vm7 =	vle.f32 v15, $0.0e+00;
	v14 =	vmpcnt.ones.xlane vm4;
	v62 =	vmpcnt.ones.xlane vm5;
	v63 =	vld [tilespmem:s3+$0x2400]  }
0x58: {  	v15 =	vmpcnt.ones.xlane vm6;
	v1 =	vmul.f32 v1, v1;
	v6 =	vnsel vm7, $0x0, v4;
	v12 =	vld [tilespmem:s3+$0xB400]  }
0x59: {  	v20 =	vmpcnt.ones.xlane vm7;
	v9 =	vnsel vm4, $0x0, v4;
	v4 =	vadd.f32 v6, v5  }
0x5a: {  	v5 =	vnsel vm5, $0x0, v1;
	v1 =	vnsel vm6, $0x0, v1;
	v9 =	vadd.f32 v9, v10  }
0x5b: {  	v5 =	vadd.f32 v5, v13;
	v6 =	vadd.f32 v1, v7;
	v7 =	vadd.s32 v2, v62  }
0x5c: {  	v1 =	vadd.s32 v11, v15;
	v2 =	vadd.s32 v3, v14;
	v13 =	vsub.f32 v61, v8  }
0x5d: {  	v3 =	vadd.s32 v18, v20;
	s3 =	simm.s32 $0x10;
	vm4 =	vge.f32 v8, $1.000000010e-01;
	v14 =	vsub.f32 v63, v12  }
0x5e: {  	s31 =	simm.s32 $0x80;
	v11 =	vld [tilespmem:s3+$0x6C00];
	vm5 =	vge.f32 v12, $1.000000010e-01;
	v10 =	vmpcnt.ones.xlane vm4;
	v13 =	vmul.f32 v13, v13  }
.LBB2_4:
0x5f: {  	p0 =	sne.s32 s31, $0x8FC0;
	vm6 =	vle.f32 v12, $0.0e+00;
	v15 =	vmpcnt.ones.xlane vm5;
	vm7 =	vle.f32 v8, $0.0e+00;
	v8 =	vld [tilespmem:s3+$0xFC00]  }
0x60: {  	v16 =	vld [tilespmem:s3+$0x2400];
	v14 =	vmul.f32 v14, v14;
	v17 =	vmpcnt.ones.xlane vm6;
	v18 =	vnsel vm7, $0x0, v13  }
0x61: {  	v13 =	vnsel vm4, $0x0, v13;
	v12 =	vld [tilespmem:s3+$0xB400];
	v4 =	vadd.f32 v18, v4;
	v18 =	vmpcnt.ones.xlane vm7  }
.Ltmp1:
0x62: {  	v9 =	vadd.f32 v13, v9;
	v19 =	vnsel vm5, $0x0, v14;
	v14 =	vnsel vm6, $0x0, v14;
	(pc) =	sbr.rel @p0 .LBB2_4-.Ltmp1, $4  }
0x63: {  	v7 =	vadd.s32 v7, v15;
	v5 =	vadd.f32 v19, v5;
	v6 =	vadd.f32 v14, v6  }
0x64: {  	v1 =	vadd.s32 v1, v17;
	v13 =	vsub.f32 v11, v8;
	vm4 =	vge.f32 v8, $1.000000010e-01  }
0x65: {  	v2 =	vadd.s32 v2, v10;
	s3 =	sshra.s32 s31, $0x2;
	v3 =	vadd.s32 v3, v18;
	v10 =	vmpcnt.ones.xlane vm4  }
0x66: {  	s31 =	sadd.s32 $0x40, s31;
	v11 =	vld [tilespmem:s3+$0x6C00];
	v14 =	vsub.f32 v16, v12;
	vm5 =	vge.f32 v12, $1.000000010e-01;
	v13 =	vmul.f32 v13, v13  }
0x67: {  	v15 =	vld [tilespmem:s3+$0xFC00]  }
0x68: {  	v16 =	vld [tilespmem:s3+$0x2400]  }
0x69: {  	v17 =	vld [tilespmem:s3+$0xB400];
	_ =	swait.ge [sflag:s24], $0x2400  }
0x6a: {  	[sflag:s24] =	ssyncset.done $0x0  }
0x6b: {  	[sflag:s24] =	ssyncadd.s32 $0xFFFFDC00  }
0x6c: {  	_ =	swait.ge [sflag:s24], $0x2400  }
0x6d: {  	[sflag:s24] =	ssyncset.done $0x0  }
0x6e: {  	[sflag:s24] =	ssyncadd.s32 $0xFFFFDC00  }
0x6f: {  	_ =	swait.ge [sflag:s24], $0x2400  }
0x70: {  	[sflag:s24] =	ssyncset.done $0x0  }
0x71: {  	[sflag:s24] =	ssyncadd.s32 $0xFFFFDC00  }
0x72: {  	_ =	swait.ge [sflag:s24], $0x2400  }
0x73: {  	[sflag:s24] =	ssyncset.done $0x0  }
0x74: {  	s3 =	simm.s32 $0x0;
	[sflag:s24] =	ssyncadd.s32 $0xFFFFDC00  }
0x75: {  	[tilespmem:s25], [sflag:$0x2] =	stream.linear.gather [hbm4b:s15+s3], $0x2400, $0x38;
	[tilespmem:$0x12080] =	vst v63  }
0x76: {  	_ = 	snop  }
0x77: {  	vm6 =	vle.f32 v12, $0.0e+00;
	v12 =	vmpcnt.ones.xlane vm5;
	vm7 =	vle.f32 v8, $0.0e+00;
	[tilespmem:s26], [sflag:$0x2] =	stream.linear.gather [hbm4b:s16+s3], $0x2400, $0x38;
	[tilespmem:$0x12080] =	vst v63  }
0x78: {  	v2 =	vadd.s32 v2, v10;
	v8 =	vmul.f32 v14, v14;
	v14 =	vmpcnt.ones.xlane vm6  }
0x79: {  	v18 =	vnsel vm7, $0x0, v13;
	v13 =	vnsel vm4, $0x0, v13;
	v59 =	vmpcnt.ones.xlane vm7;
	[tilespmem:s28], [sflag:$0x2] =	stream.linear.gather [hbm4b:s17+s3], $0x2400, $0x38;
	[tilespmem:$0x12080] =	vst v63  }
0x7a: {  	v4 =	vadd.f32 v18, v4;
	v9 =	vadd.f32 v13, v9;
	v13 =	vadd.s32 v7, v12  }
0x7b: {  	v19 =	vnsel vm5, $0x0, v8;
	v8 =	vnsel vm6, $0x0, v8;
	v7 =	vsub.f32 v11, v15;
	[tilespmem:s29], [sflag:$0x2] =	stream.linear.gather [hbm4b:s18+s3], $0x2400, $0x38;
	[tilespmem:$0x12080] =	vst v63  }
0x7c: {  	v1 =	vadd.s32 v1, v14;
	v3 =	vadd.s32 v3, v59;
	v6 =	vadd.f32 v8, v6;
	s3 =	simm.s32 $0x0  }
0x7d: {  	vm4 =	vge.f32 v15, $1.000000010e-01;
	v8 =	vsub.f32 v16, v17;
	v7 =	vmul.f32 v7, v7;
	v14 =	vld [tilespmem:s3+$0x4800]  }
0x7e: {  	vm5 =	vge.f32 v17, $1.000000010e-01;
	vm6 =	vle.f32 v17, $0.0e+00;
	vm7 =	vle.f32 v15, $0.0e+00;
	v10 =	vld [tilespmem:s3+$0xD800]  }
0x7f: {  	v11 =	vmpcnt.ones.xlane vm4;
	v15 =	vmpcnt.ones.xlane vm6;
	v12 =	vnsel vm7, $0x0, v7;
	v61 =	vld [tilespmem:s3+$0x0]  }
0x80: {  	v8 =	vmul.f32 v8, v8;
	v62 =	vnsel vm4, $0x0, v7;
	v7 =	vadd.f32 v12, v4;
	v12 =	vld [tilespmem:s3+$0x9000]  }
0x81: {  	v5 =	vadd.f32 v19, v5;
	v60 =	vmpcnt.ones.xlane vm5;
	v63 =	vmpcnt.ones.xlane vm7  }
0x82: {  	v1 =	vadd.s32 v1, v15;
	v2 =	vadd.s32 v2, v11;
	v4 =	vnsel vm5, $0x0, v8  }
0x83: {  	v3 =	vadd.s32 v3, v63;
	v20 =	vnsel vm6, $0x0, v8;
	v4 =	vadd.f32 v4, v5  }
0x84: {  	v5 =	vadd.f32 v20, v6;
	v6 =	vadd.s32 v13, v60;
	v13 =	vsub.f32 v14, v10  }
0x85: {  	v8 =	vadd.f32 v62, v9;
	s3 =	simm.s32 $0x10;
	vm4 =	vge.f32 v10, $1.000000010e-01;
	v14 =	vsub.f32 v61, v12  }
0x86: {  	s31 =	simm.s32 $0x80;
	v11 =	vld [tilespmem:s3+$0x4800];
	vm5 =	vge.f32 v12, $1.000000010e-01;
	v9 =	vmpcnt.ones.xlane vm4;
	v13 =	vmul.f32 v13, v13  }
.LBB2_6:
0x87: {  	p0 =	sne.s32 s31, $0x8FC0;
	vm6 =	vle.f32 v12, $0.0e+00;
	v15 =	vmpcnt.ones.xlane vm5;
	vm7 =	vle.f32 v10, $0.0e+00;
	v10 =	vld [tilespmem:s3+$0xD800]  }
0x88: {  	v16 =	vld [tilespmem:s3+$0x0];
	v14 =	vmul.f32 v14, v14;
	v17 =	vmpcnt.ones.xlane vm6;
	v18 =	vnsel vm7, $0x0, v13  }
0x89: {  	v13 =	vnsel vm4, $0x0, v13;
	v12 =	vld [tilespmem:s3+$0x9000];
	v7 =	vadd.f32 v18, v7;
	v18 =	vmpcnt.ones.xlane vm7  }
.Ltmp2:
0x8a: {  	v8 =	vadd.f32 v13, v8;
	v19 =	vnsel vm5, $0x0, v14;
	v14 =	vnsel vm6, $0x0, v14;
	(pc) =	sbr.rel @p0 .LBB2_6-.Ltmp2, $4  }
0x8b: {  	v6 =	vadd.s32 v6, v15;
	v4 =	vadd.f32 v19, v4;
	v5 =	vadd.f32 v14, v5  }
0x8c: {  	v1 =	vadd.s32 v1, v17;
	v13 =	vsub.f32 v11, v10;
	vm4 =	vge.f32 v10, $1.000000010e-01  }
0x8d: {  	v2 =	vadd.s32 v2, v9;
	s3 =	sshra.s32 s31, $0x2;
	v3 =	vadd.s32 v3, v18;
	v9 =	vmpcnt.ones.xlane vm4  }
0x8e: {  	s31 =	sadd.s32 $0x40, s31;
	v11 =	vld [tilespmem:s3+$0x4800];
	v14 =	vsub.f32 v16, v12;
	vm5 =	vge.f32 v12, $1.000000010e-01;
	v13 =	vmul.f32 v13, v13  }
0x8f: {  	v15 =	vld [tilespmem:s3+$0xD800]  }
0x90: {  	v16 =	vld [tilespmem:s3+$0x0]  }
0x91: {  	v17 =	vld [tilespmem:s3+$0x9000];
	_ =	swait.ge [sflag:s30], $0x2400  }
0x92: {  	[sflag:s30] =	ssyncset.done $0x0  }
0x93: {  	[sflag:s30] =	ssyncadd.s32 $0xFFFFDC00  }
0x94: {  	_ =	swait.ge [sflag:s30], $0x2400  }
0x95: {  	[sflag:s30] =	ssyncset.done $0x0  }
0x96: {  	[sflag:s30] =	ssyncadd.s32 $0xFFFFDC00  }
0x97: {  	vm6 =	vle.f32 v12, $0.0e+00;
	v12 =	vmpcnt.ones.xlane vm5;
	vm7 =	vle.f32 v10, $0.0e+00;
	_ =	swait.ge [sflag:s30], $0x2400  }
0x98: {  	v2 =	vadd.s32 v2, v9;
	v10 =	vmul.f32 v14, v14;
	v18 =	vnsel vm7, $0x0, v13;
	[sflag:s30] =	ssyncset.done $0x0  }
0x99: {  	v14 =	vmpcnt.ones.xlane vm6;
	v13 =	vnsel vm4, $0x0, v13;
	v18 =	vadd.f32 v18, v7;
	[sflag:s30] =	ssyncadd.s32 $0xFFFFDC00  }
0x9a: {  	v7 =	vmpcnt.ones.xlane vm7;
	v19 =	vnsel vm5, $0x0, v10;
	v10 =	vnsel vm6, $0x0, v10;
	_ =	swait.ge [sflag:s30], $0x2400  }
0x9b: {  	v8 =	vadd.f32 v13, v8;
	v5 =	vadd.f32 v10, v5;
	v10 =	vadd.s32 v6, v12;
	[sflag:s30] =	ssyncset.done $0x0  }
0x9c: {  	s3 =	simm.s32 $0x0;
	v6 =	vsub.f32 v11, v15;
	vm4 =	vge.f32 v15, $1.000000010e-01;
	v11 =	vadd.s32 v1, v14;
	[sflag:s30] =	ssyncadd.s32 $0xFFFFDC00  }
0x9d: {  	v14 =	vadd.s32 v3, v7;
	v1 =	vsub.f32 v16, v17;
	vm5 =	vge.f32 v17, $1.000000010e-01;
	v60 =	vld [tilespmem:s3+$0x6C00]  }
0x9e: {  	vm6 =	vle.f32 v17, $0.0e+00;
	v13 =	vmpcnt.ones.xlane vm4;
	v61 =	vmpcnt.ones.xlane vm5;
	v7 =	vld [tilespmem:s3+$0xFC00]  }
0x9f: {  	vm7 =	vle.f32 v15, $0.0e+00;
	v3 =	vmul.f32 v6, v6;
	v1 =	vmul.f32 v1, v1;
	v62 =	vld [tilespmem:s3+$0x2400]  }
0xa0: {  	v4 =	vadd.f32 v19, v4;
	v15 =	vmpcnt.ones.xlane vm6;
	v63 =	vmpcnt.ones.xlane vm7;
	v12 =	vld [tilespmem:s3+$0xB400]  }
0xa1: {  	v6 =	vnsel vm7, $0x0, v3;
	v3 =	vnsel vm4, $0x0, v3;
	v9 =	vnsel vm5, $0x0, v1  }
0xa2: {  	v20 =	vnsel vm6, $0x0, v1;
	v6 =	vadd.f32 v6, v18;
	v1 =	vadd.f32 v3, v8  }
0xa3: {  	v10 =	vadd.s32 v10, v61;
	v8 =	vadd.f32 v9, v4;
	v9 =	vadd.f32 v20, v5  }
0xa4: {  	v3 =	vadd.s32 v11, v15;
	v4 =	vadd.s32 v2, v13;
	v15 =	vsub.f32 v60, v7  }
0xa5: {  	v2 =	vadd.s32 v14, v63;
	s3 =	simm.s32 $0x10;
	vm4 =	vge.f32 v7, $1.000000010e-01;
	v14 =	vsub.f32 v62, v12  }
0xa6: {  	s31 =	simm.s32 $0x80;
	v11 =	vld [tilespmem:s3+$0x6C00];
	vm5 =	vge.f32 v12, $1.000000010e-01;
	v5 =	vmpcnt.ones.xlane vm4;
	v13 =	vmul.f32 v15, v15  }
.LBB2_8:
0xa7: {  	p0 =	sne.s32 s31, $0x8FC0;
	vm6 =	vle.f32 v12, $0.0e+00;
	v15 =	vmpcnt.ones.xlane vm5;
	vm7 =	vle.f32 v7, $0.0e+00;
	v7 =	vld [tilespmem:s3+$0xFC00]  }
0xa8: {  	v16 =	vld [tilespmem:s3+$0x2400];
	v14 =	vmul.f32 v14, v14;
	v17 =	vmpcnt.ones.xlane vm6;
	v18 =	vnsel vm7, $0x0, v13  }
0xa9: {  	v13 =	vnsel vm4, $0x0, v13;
	v12 =	vld [tilespmem:s3+$0xB400];
	v6 =	vadd.f32 v18, v6;
	v18 =	vmpcnt.ones.xlane vm7  }
.Ltmp3:
0xaa: {  	v1 =	vadd.f32 v13, v1;
	v19 =	vnsel vm5, $0x0, v14;
	v14 =	vnsel vm6, $0x0, v14;
	(pc) =	sbr.rel @p0 .LBB2_8-.Ltmp3, $4  }
0xab: {  	v10 =	vadd.s32 v10, v15;
	v8 =	vadd.f32 v19, v8;
	v9 =	vadd.f32 v14, v9  }
0xac: {  	v3 =	vadd.s32 v3, v17;
	v13 =	vsub.f32 v11, v7;
	vm4 =	vge.f32 v7, $1.000000010e-01  }
0xad: {  	v4 =	vadd.s32 v4, v5;
	s3 =	sshra.s32 s31, $0x2;
	v2 =	vadd.s32 v2, v18;
	v5 =	vmpcnt.ones.xlane vm4  }
0xae: {  	s31 =	sadd.s32 $0x40, s31;
	v11 =	vld [tilespmem:s3+$0x6C00];
	v14 =	vsub.f32 v16, v12;
	vm5 =	vge.f32 v12, $1.000000010e-01;
	v13 =	vmul.f32 v13, v13  }
0xaf: {  	v16 =	vld [tilespmem:s3+$0x2400]  }
0xb0: {  	vm6 =	vle.f32 v12, $0.0e+00;
	vm7 =	vle.f32 v7, $0.0e+00;
	v49 =	vld [tilespmem:s3+$0xB400];
	v50 =	vmpcnt.ones.xlane vm5  }
0xb1: {  	v15 =	vld [tilespmem:s3+$0xFC00];
	v4 =	vadd.s32 v4, v5;
	v48 =	vmul.f32 v14, v14;
	v17 =	vmpcnt.ones.xlane vm6  }
0xb2: {  	v18 =	vnsel vm7, $0x0, v13;
	v51 =	vnsel vm4, $0x0, v13;
	v19 =	vmpcnt.ones.xlane vm7  }
0xb3: {  	v6 =	vadd.f32 v18, v6;
	v53 =	vadd.s32 v10, v50;
	v52 =	vnsel vm5, $0x0, v48  }
0xb4: {  	v7 =	vnsel vm6, $0x0, v48;
	v3 =	vadd.s32 v3, v17;
	v8 =	vadd.f32 v52, v8  }
0xb5: {  	v7 =	vadd.f32 v7, v9;
	v55 =	vsub.f32 v16, v49;
	vm5 =	vge.f32 v49, $1.000000010e-01  }
0xb6: {  	v54 =	vsub.f32 v11, v15;
	vm14 =	vle.f32 v49, $0.0e+00;
	v57 =	vmpcnt.ones.xlane vm5  }
0xb7: {  	vm4 =	vge.f32 v15, $1.000000010e-01;
	v58 =	vmpcnt.ones.xlane vm14;
	v11 =	vmul.f32 v55, v55  }
0xb8: {  	vm15 =	vle.f32 v15, $0.0e+00;
	v56 =	vmpcnt.ones.xlane vm4;
	v59 =	vadd.s32 v53, v57  }
0xb9: {  	v3 =	vadd.s32 v3, v58;
	v60 =	vnsel vm5, $0x0, v11;
	(v2sf) =	vpush v59, $0x0  }
0xba: {  	v61 =	vnsel vm14, $0x0, v11;
	v8 =	vadd.f32 v60, v8;
	(v2sf) =	vpush v3, $0x0  }
0xbb: {  	v62 =	vmpcnt.ones.xlane vm15;
	v3 =	vmul.f32 v54, v54;
	v5 =	vadd.f32 v61, v7  }
0xbc: {  	v1 =	vadd.f32 v51, v1;
	v2 =	vadd.s32 v2, v19;
	v4 =	vadd.s32 v4, v56;
	(xrf2) =	vadd.scan.msk.f32 $0xffff, v8  }
0xbd: {  	v2 =	vadd.s32 v2, v62;
	(v2sf) =	vpush v4, $0x0;
	v63 =	vnsel vm4, $0x0, v3;
	(xrf2) =	vadd.scan.msk.f32 $0xffff, v5  }
0xbe: {  	v3 =	vnsel vm15, $0x0, v3;
	(v2sf) =	vpush v2, $0x0;
	v1 =	vadd.f32 v63, v1  }
0xbf: {  	v2 =	vadd.f32 v3, v6  }
0xc0: {  	(xrf2) =	vadd.scan.msk.f32 $0xffff, v1  }
0xc1: {  	(xrf2) =	vadd.scan.msk.f32 $0xffff, v2;
	_ =	sdelay $0x4  }
0xc2: {  	v1, _, _ =	vpop (xrf2)  }
0xc3: {  	v2, _, _ =	vpop (xrf2);
	v1 =	vbroadcast v1, $0xF  }
0xc4: {  	s3 =	spop (v2sf);
	v2 =	vbroadcast v2, $0xF  }
0xc5: {  	s31 =	spop (v2sf);
	v1 =	vnsel vm0, $0x0, v1;
	s3 =	scvt.s32.f32 s3  }
0xc6: {  	vm4 =	veq.s32 v0, $0x2;
	v3, _, _ =	vpop (xrf2);
	v1 =	vsel vm1, v1, v2;
	s31 =	scvt.s32.f32 s31  }
0xc7: {  	v2 =	vbroadcast v3, $0xF;
	v3, _, _ =	vpop (xrf2);
	v1 =	vsel vm4, s3, v1;
	vm4 =	veq.s32 v0, $0x3  }
0xc8: {  	s3 =	spop (v2sf);
	v3 =	vbroadcast v3, $0xF;
	v1 =	vsel vm4, s31, v1  }
0xc9: {  	s3 =	scvt.s32.f32 s3;
	s31 =	spop (v2sf);
	v1 =	vsel vm2, v2, v1  }
0xca: {  	vm4 =	veq.s32 v0, $0x6;
	s31 =	scvt.s32.f32 s31;
	v1 =	vsel vm3, v1, v3  }
0xcb: {  	s1 =	sadd.s32 $0x1, s1;
	v1 =	vsel vm4, s3, v1;
	vm4 =	veq.s32 v0, $0x7  }
0xcc: {  	p0 =	sne.s32 s1, s20;
	v1 =	vsel vm4, s31, v1  }
.Ltmp4:
0xcd: {  	s31 =	simm.s32 $0x12000;
	[tilespmem:$0x12000] =	vst v1;
	(pc) =	sbr.rel @p0 .LBB2_1-.Ltmp4, $4  }
0xce: {  	[hbm4b:s19+s2] =	stream.linear.scatter [tilespmem:s31], [sflag:$0x3], $0x80, $0x38;
	[tilespmem:$0x12080] =	vst v63  }
0xcf: {  	_ =	swait.ge [sflag:s0], $0x80  }
0xd0: {  	[sflag:s0] =	ssyncset.done $0x0  }
0xd1: {  	[sflag:s0] =	ssyncadd.s32 $0xFFFFFF80  }
0xd2: {  	_ =	sfence.sel $0x180000  }
0xd3: {  	[bflag:$0x0] =	sbarrier.arrive $0xFFFF  }
0xd4: {  	_ =	strace $0x90000047  }
0xd5: {  	s0 =	stileid.u32;
	[bflag:$0x2] =	sbarrier.arrive $0xFFFF  }
0xd6: {  	p0 =	sne.s32 s0, $0x0;
	s0 =	rddreg [dreg:$0x1]  }
0xd7: {  	s0 =	sadd.s32 @!p0 $0x100000, s0  }
0xd8: {  	[sflag:s0] =	ssyncadd.tile.s32 @!p0 $0x1;
	_ =	shalt  }
.Lfunc_end2:
_tile_overlayer_lowered:
.L_overlay_start_2:
0xd9: {  	(tag) =	ssettag $0x2  }
0xda: {  	s0 =	rddreg [dreg:$0x0];
	s2 =	stileid.u32  }
0xdb: {  	s1 =	rddreg [dreg:$0x1];
	p0 =	sne.s32 s2, $0x0  }
0xdc: {  	s3 =	rddreg [dreg:$0x2];
	[bflag:$0x3] =	sbarrier.arrive $0xFFFF;
	s2 =	simm.s32 @!p0 $0x1C03  }
0xdd: {  	[timem:s3], [sflag:s2] =	dma.local @!p0 [hbm:s0], s1  }
0xde: {  	s0 =	simm.s32 @!p0 $0x3  }
0xdf: {  	_ =	swait.ge @!p0 [sflag:s0], s1  }
0xe0: {  	s1 =	ssub.s32 @!p0 $0x0, s1;
	[sflag:s0] =	ssyncset.done @!p0 $0x0  }
0xe1: {  	[sflag:s0] =	ssyncadd.s32 @!p0 s1  }
0xe2: {  	[bflag:$0x3] =	sbarrier.arrive $0xFFFF  }
0xe3: {  	_ =	shalt  }

// kernel: kernel.7.cloned.1.call-start
scs
__scs_entry_jumppad:
0x0: {  	(pc) =	sbr.rel $0x88, $3  }
0x1: {  	(tag) =	ssettag $0x0;
	lr =	simm.s32 $0x1  }
0x2: {  	[smem:$0x3F9E] =	sst lr;
	_ =	strace $0xD0000000  }
0x3: {  	_ = 	snop  }
0x4: {  	_ = 	snop  }
0x5: {  	_ = 	snop  }
0x6: {  	_ = 	snop  }
0x7: {  	_ = 	snop  }
__scs_overlays_trampoline_lowered:
0x8: {  	[smem:$0x3FAD] =	sst s0  }
0x9: {  	[smem:$0x3FAE] =	sst s1  }
0xa: {  	[smem:$0x3FAF] =	sst s2  }
0xb: {  	[smem:$0x3FB0] =	sst s3  }
0xc: {  	[smem:$0x3FB1] =	sst s4  }
0xd: {  	[smem:$0x3FB2] =	sst s5  }
0xe: {  	[smem:$0x3FB3] =	sst s6  }
0xf: {  	[smem:$0x3FB4] =	sst s7  }
0x10: {  	[smem:$0x3FB5] =	sst s8  }
0x11: {  	[smem:$0x3FB6] =	sst s9;
	s0 =	simm.s32 @!p0 $0x0  }
0x12: {  	s1 =	sld [smem:$0x3F9C];
	s0 =	simm.s32 @p0 $0x1  }
0x13: {  	[smem:$0x3FB7] =	sst s0;
	s0 =	simm.s32 @!p1 $0x0  }
0x14: {  	s2 =	sld [smem:$0x3F9B];
	s0 =	simm.s32 @p1 $0x1  }
0x15: {  	[smem:$0x3FB8] =	sst s0;
	s0 =	simm.s32 @!p2 $0x0  }
0x16: {  	s3 =	sld [smem:$0x3FDB];
	s0 =	simm.s32 @p2 $0x1  }
0x17: {  	s4 =	simm.s32 $0x1BF5;
	[smem:$0x3FBA] =	sst s0  }
0x18: {  	s0 =	sld [smem:$0x3F9D];
	_ =	swait.ge [sflag:s4], $0x0  }
0x19: {  	s7 =	sld [smem:$0x3F9E]  }
0x1a: {  	s8 =	sadd.s32 $0xFFFFE003, lr  }
0x1b: {  	s9 =	sadd.s32 $0xFFFFFEF7, lr;
	s5 =	simm.s32 $0xFFFFFFFF;
	p2 =	slt.u32 s8, $0xFFFFF086  }
0x1c: {  	p1 =	slt.u32 s9, $0xF7A;
	s5 =	simm.s32 @!p2 $0x0  }
0x1d: {  	s5 =	simm.s32 @p1 $0x1;
	p0 =	seq.s32 s7, s2  }
0x1e: {  	s7 =	smul.u32 @!p0 $0xF7A, s2;
	p2 =	seq.s32 @!p0 s5, $0x0  }
0x1f: {  	s9 =	smul.u32 $0xF7A, s1;
	s8 =	simm.s32 @!p0 $0x1BF5;
	p2 =	por !p2, p0  }
0x20: {  	[sflag:s8] =	ssyncset.s32 @!p0 $0xFFFFF086;
	s6 =	sadd.s32 @!p0 s3, s7;
	s7 =	simm.s32 @!p0 $0x108  }
0x21: {  	s3 =	sadd.s32 s3, s9;
	s6 =	sadd.s32 @!p0 $0x88, s6;
	s7 =	simm.s32 @p2 $0x1082  }
0x22: {  	[simem:s7], [sflag:s8] =	dma.local @!p0 [hbm:s6], $0xF7A  }
0x23: {  	s9 =	sor.u32 $0xD0000000, s2;
	s6 =	simm.s32 $0x108;
	_ =	swait.ge @!p0 [sflag:s8], $0x0  }
0x24: {  	s3 =	sadd.s32 $0x88, s3;
	s6 =	simm.s32 @!p1 $0x1082;
	[sflag:s4] =	ssyncset.s32 $0xFFFFF086  }
0x25: {  	[simem:s6], [sflag:s4] =	dma.local [hbm:s3], $0xF7A  }
0x26: {  	[smem:$0x3F9E] =	sst s1;
	(tag) =	ssettag s2;
	_ =	strace s9  }
0x27: {  	s1 =	sld [smem:$0x3FAE]  }
0x28: {  	s2 =	sld [smem:$0x3FAF]  }
0x29: {  	s4 =	sld [smem:$0x3FB1]  }
0x2a: {  	p0 =	seq.s32 s5, $0x0;
	s5 =	sld [smem:$0x3FB2]  }
0x2b: {  	s6 =	sld [smem:$0x3FB3]  }
0x2c: {  	s7 =	sld [smem:$0x3FB4]  }
0x2d: {  	s3 =	simm.s32 $0x108;
	s8 =	sld [smem:$0x3FB5]  }
0x2e: {  	s3 =	simm.s32 @!p0 $0x1082;
	s9 =	sld [smem:$0x3FB6]  }
0x2f: {  	lr =	sadd.s32 s0, s3;
	s0 =	sld [smem:$0x3FAD]  }
0x30: {  	s3 =	sld [smem:$0x3FB0]  }
0x31: {  	[smem:$0x3FB9] =	sst s10  }
0x32: {  	s10 =	sld [smem:$0x3FB7];
	_ =	sdelay $0x3  }
0x33: {  	p0 =	seq.s32 s10, $0x1;
	s10 =	sld [smem:$0x3FB9];
	_ =	sdelay $0x3  }
0x34: {  	[smem:$0x3FB9] =	sst s10  }
0x35: {  	s10 =	sld [smem:$0x3FB8];
	_ =	sdelay $0x3  }
0x36: {  	p1 =	seq.s32 s10, $0x1;
	s10 =	sld [smem:$0x3FB9];
	_ =	sdelay $0x3  }
0x37: {  	[smem:$0x3FB9] =	sst s10  }
0x38: {  	s10 =	sld [smem:$0x3FBA]  }
0x39: {  	_ = 	snop;
	(pc) =	sbr.ind lr, $3  }
0x3a: {  	_ = 	snop  }
0x3b: {  	_ = 	snop  }
0x3c: {  	p2 =	seq.s32 s10, $0x1;
	s10 =	sld [smem:$0x3FB9]  }
0x3d: {  	_ =	shalt  }
0x3e: {  	_ =	shalt  }
0x3f: {  	_ =	shalt  }
0x40: {  	_ =	shalt  }
0x41: {  	_ =	shalt  }
0x42: {  	_ =	shalt  }
0x43: {  	_ =	shalt  }
0x44: {  	_ =	shalt  }
0x45: {  	_ =	shalt  }
0x46: {  	_ =	shalt  }
0x47: {  	_ =	shalt  }
0x48: {  	_ =	shalt  }
0x49: {  	_ =	shalt  }
0x4a: {  	_ =	shalt  }
0x4b: {  	_ =	shalt  }
0x4c: {  	_ =	shalt  }
0x4d: {  	_ =	shalt  }
0x4e: {  	_ =	shalt  }
0x4f: {  	_ =	shalt  }
0x50: {  	_ =	shalt  }
0x51: {  	_ =	shalt  }
0x52: {  	_ =	shalt  }
0x53: {  	_ =	shalt  }
0x54: {  	_ =	shalt  }
0x55: {  	_ =	shalt  }
0x56: {  	_ =	shalt  }
0x57: {  	_ =	shalt  }
0x58: {  	_ =	shalt  }
0x59: {  	_ =	shalt  }
0x5a: {  	_ =	shalt  }
0x5b: {  	_ =	shalt  }
0x5c: {  	_ =	shalt  }
0x5d: {  	_ =	shalt  }
0x5e: {  	_ =	shalt  }
0x5f: {  	_ =	shalt  }
0x60: {  	_ =	shalt  }
0x61: {  	_ =	shalt  }
0x62: {  	_ =	shalt  }
0x63: {  	_ =	shalt  }
0x64: {  	_ =	shalt  }
0x65: {  	_ =	shalt  }
0x66: {  	_ =	shalt  }
0x67: {  	_ =	shalt  }
0x68: {  	_ =	shalt  }
0x69: {  	_ =	shalt  }
0x6a: {  	_ =	shalt  }
0x6b: {  	_ =	shalt  }
0x6c: {  	_ =	shalt  }
0x6d: {  	_ =	shalt  }
0x6e: {  	_ =	shalt  }
0x6f: {  	_ =	shalt  }
0x70: {  	_ =	shalt  }
0x71: {  	_ =	shalt  }
0x72: {  	_ =	shalt  }
0x73: {  	_ =	shalt  }
0x74: {  	_ =	shalt  }
0x75: {  	_ =	shalt  }
0x76: {  	_ =	shalt  }
0x77: {  	_ =	shalt  }
0x78: {  	_ =	shalt  }
0x79: {  	_ =	shalt  }
0x7a: {  	_ =	shalt  }
0x7b: {  	_ =	shalt  }
0x7c: {  	_ =	shalt  }
0x7d: {  	_ =	shalt  }
0x7e: {  	_ =	shalt  }
0x7f: {  	_ =	shalt  }
0x80: {  	_ =	shalt  }
0x81: {  	_ =	shalt  }
0x82: {  	_ =	shalt  }
0x83: {  	_ =	shalt  }
0x84: {  	_ =	shalt  }
0x85: {  	_ =	shalt  }
0x86: {  	_ =	shalt  }
0x87: {  	_ =	shalt  }
.Lfunc_end0:
.L_simem_size_0:
called_computation.1_lowered:
.L_overlay_start_0:
0x88: {  	s2 =	sld [smem:$0x3FD9]  }
0x89: {  	s3 =	sld [smem:$0x3FFE];
	_ =	sdelay $0x1  }
0x8a: {  	s1 =	srdreg.scid  }
0x8b: {  	s0 =	sand.u32 $0x1, s1  }
0x8c: {  	s16 =	sshll.u32 s0, $0xA;
	s2 =	sadd.s32 s3, s2  }
0x8d: {  	s2 =	sadd.s32 s2, s16  }
0x8e: {  	[smem:$0x3FC5] =	sst s2  }
0x8f: {  	_ = 	snop  }
0x90: {  	(tm) =	ssettm $0x1  }
0x91: {  	s17 =	sld [smem:$0x3FFB];
	_ =	sdelay $0x3  }
0x92: {  	_ =	strace s17  }
0x93: {  	s2 =	sld [smem:$0x3FFC];
	_ =	sdelay $0x3  }
0x94: {  	_ =	strace s2  }
0x95: {  	s2 =	sld [smem:$0x3FFD];
	_ =	sdelay $0x3  }
0x96: {  	_ =	strace s2  }
0x97: {  	_ =	strace $0x8FFFFFFF  }
0x98: {  	s18 =	sld [smem:$0x3FDB];
	_ =	sdelay $0x1  }
0x99: {  	s19 =	simm.s32 $_scs_section_size  }
0x9a: {  	s4 =	simm.s32 $_size__tile_overlayer_lowered;
	s5 =	simm.s32 $_tile_overlayer_lowered  }
0x9b: {  	s22 =	simm.s32 $0x1BFF;
	s21 =	sshll.u32 s5, $0x1;
	s2 =	sadd.s32 s19, s18  }
0x9c: {  	s6 =	simm.s32 $0x0;
	s20 =	sshll.u32 s4, $0x1;
	s4 =	sadd.s32 s21, s2  }
0x9d: {  	[timem:s6], [sflag:s22] =	dma.local [hbm:s4], s20  }
0x9e: {  	_ =	swait.ge [sflag:s22], s20  }
0x9f: {  	s3 =	ssub.s32 $0x0, s20;
	[sflag:s22] =	ssyncset.done $0x0  }
0xa0: {  	[sflag:s22] =	ssyncadd.s32 s3;
	_ =	sdelay $0x1  }
0xa1: {  	s23 =	simm.s32 $0x1B8B  }
0xa2: {  	_ =	swait.ge [sflag:s23], $0x1  }
0xa3: {  	[sflag:s23] =	ssyncset.done $0x0  }
0xa4: {  	s25 =	simm.s32 $0x1B8E;
	s24 =	sld [smem:$0x3FFE];
	[sflag:s23] =	ssyncadd.s32 $0xFFFFFFFF  }
0xa5: {  	s26 =	simm.s32 $execute0_lowered;
	[smem:$0x3FD2] =	sst s25  }
0xa6: {  	s4 =	sshll.u32 s26, $0x1;
	_ =	strace $0x80000049;
	[dreg:$0x1] =	wrdreg $0xFFFFFFFF  }
0xa7: {  	s28 =	simm.s32 $_size_execute0_lowered;
	s2 =	sadd.s32 s2, s4;
	[dreg:$0x0] =	wrdreg $0x0  }
0xa8: {  	s4 =	sshll.u32 s28, $0x1;
	[dreg:$0x2] =	wrdreg s2  }
0xa9: {  	[dreg:$0x3] =	wrdreg s4  }
0xaa: {  	[dreg:$0x4] =	wrdreg $0xC0  }
0xab: {  	_ =	task [dreg:s6], $0x5FFFF  }
0xac: {  	[dreg:$0x1] =	wrdreg $0xFFFFFFFF  }
0xad: {  	[dreg:$0x0] =	wrdreg $0x60  }
0xae: {  	[dreg:$0x2] =	wrdreg s24  }
0xaf: {  	[dreg:$0x3] =	wrdreg $0x9  }
0xb0: {  	_ =	task.clear_ibuf [dreg:s6], $0x4FFFF;
	_ =	strace $0x90000049  }
0xb1: {  	s29 =	simm.s32 $0x9;
	_ =	strace $0x8000004B  }
0xb2: {  	_ =	swait.ge [sflag:s29], $0x1  }
0xb3: {  	[sflag:s29] =	ssyncadd.s32 $0xFFFFFFFF  }
0xb4: {  	_ =	strace $0x9000004B  }
0xb5: {  	_ =	sfence  }
0xb6: {  	s30 =	sld [smem:$0x0];
	_ =	sdelay $0x2  }
0xb7: {  	s31 =	sshll.u32 s1, $0xD;
	s1 =	sshrl.u32 s1, $0x2  }
0xb8: {  	s3 =	sand.u32 $0x4000, s31;
	s1 =	sadd.s32 s1, s30  }
0xb9: {  	s0 =	sor.u32 s3, s0;
	s1 =	sshll.u32 s1, $0x11  }
0xba: {  	s0 =	sor.u32 s1, s0  }
0xbb: {  	s0 =	sadd.s32 $0x8F2B, s0  }
0xbc: {  	[sflag:s0] =	ssyncadd.remote.s32 $0x1  }
0xbd: {  	_ =	sfence.sel $0xFFFF  }
0xbe: {  	[dreg:$0x0] =	wrdreg $0xFFFFFFFF;
	(pc) =	sbr.abs _section_cstart, $3  }
0xbf: {  	[dreg:$0x1] =	wrdreg $0xFFFFFFFF  }
0xc0: {  	_ =	task.clear_ibuf [dreg:s6], $0x2FFFF;
	_ =	strace $0x9FFFFFFF  }
0xc1: {  	(tm) =	ssettm $0x7FFFFFFF  }
tec
execute0_lowered:
.L_overlay_start_1:
0x0: {  	(tag) =	ssettag $0x1  }
0x1: {  	s0 =	srdreg.scid  }
0x2: {  	s6 =	sand.u32 $0x1, s0;
	s0 =	stileid.u32  }
0x3: {  	s2 =	sshll.u32 s0, $0x1;
	s3 =	ssub.s32 $0x0, s6  }
0x4: {  	p0 =	sne.s32 s2, s3  }
.Ltmp0:
0x5: {  	_ = 	snop;
	(pc) =	sbr.rel @p0 .LBB2_4-.Ltmp0, $3  }
0x6: {  	_ =	sdelay $0x1  }
0x7: {  	s5 =	rddreg [dreg:$0x0]  }
0x8: {  	s1 =	rddreg [dreg:$0x1];
	_ =	strace $0x8000004A  }
0x9: {  	s2 =	sadd.s32 $0x92400, s5;
	s4 =	simm.s32 $0x0;
	s3 =	simm.s32 $0x1  }
0xa: {  	[tilespmem:s4], [sflag:$0x1] =	stream.linear.gather [hbm4b:s2+s4], $0x1000, $0x38;
	[tilespmem:$0x1080] =	vst v63  }
0xb: {  	_ =	swait.ge [sflag:s3], $0x1000  }
0xc: {  	[sflag:s3] =	ssyncset.done $0x0  }
0xd: {  	[sflag:s3] =	ssyncadd.s32 $0xFFFFF000  }
0xe: {  	v0 =	vld [tilespmem:$0x0];
	_ =	sdelay $0x1  }
0xf: {  	v1 =	vld [tilespmem:$0x80];
	_ =	sdelay $0x1  }
0x10: {  	v2 =	vld [tilespmem:$0x100]  }
0x11: {  	v0 =	vadd.f32 $0.0e+00, v0  }
0x12: {  	v3 =	vld [tilespmem:$0x180]  }
0x13: {  	v0 =	vadd.f32 v1, v0  }
0x14: {  	v28 =	vld [tilespmem:$0x200]  }
0x15: {  	v0 =	vadd.f32 v2, v0  }
0x16: {  	v29 =	vld [tilespmem:$0x280]  }
0x17: {  	v0 =	vadd.f32 v3, v0  }
0x18: {  	v30 =	vld [tilespmem:$0x300]  }
0x19: {  	v0 =	vadd.f32 v28, v0  }
0x1a: {  	v31 =	vld [tilespmem:$0x380]  }
0x1b: {  	v0 =	vadd.f32 v29, v0  }
0x1c: {  	v32 =	vld [tilespmem:$0x400]  }
0x1d: {  	v0 =	vadd.f32 v30, v0  }
0x1e: {  	v33 =	vld [tilespmem:$0x480]  }
0x1f: {  	v0 =	vadd.f32 v31, v0  }
0x20: {  	v34 =	vld [tilespmem:$0x500]  }
0x21: {  	v0 =	vadd.f32 v32, v0  }
0x22: {  	v35 =	vld [tilespmem:$0x580]  }
0x23: {  	v0 =	vadd.f32 v33, v0  }
0x24: {  	v36 =	vld [tilespmem:$0x600]  }
0x25: {  	v0 =	vadd.f32 v34, v0  }
0x26: {  	v37 =	vld [tilespmem:$0x680]  }
0x27: {  	v0 =	vadd.f32 v35, v0  }
0x28: {  	v38 =	vld [tilespmem:$0x700]  }
0x29: {  	v0 =	vadd.f32 v36, v0  }
0x2a: {  	v39 =	vld [tilespmem:$0x780]  }
0x2b: {  	v0 =	vadd.f32 v37, v0  }
0x2c: {  	v40 =	vld [tilespmem:$0x800]  }
0x2d: {  	v0 =	vadd.f32 v38, v0  }
0x2e: {  	v41 =	vld [tilespmem:$0x880]  }
0x2f: {  	v0 =	vadd.f32 v39, v0  }
0x30: {  	v42 =	vld [tilespmem:$0x900]  }
0x31: {  	v0 =	vadd.f32 v40, v0  }
0x32: {  	v43 =	vld [tilespmem:$0x980]  }
0x33: {  	v0 =	vadd.f32 v41, v0  }
0x34: {  	v44 =	vld [tilespmem:$0xA00]  }
0x35: {  	v0 =	vadd.f32 v42, v0  }
0x36: {  	v45 =	vld [tilespmem:$0xA80]  }
0x37: {  	v0 =	vadd.f32 v43, v0  }
0x38: {  	v46 =	vld [tilespmem:$0xB00]  }
0x39: {  	v0 =	vadd.f32 v44, v0  }
0x3a: {  	v47 =	vld [tilespmem:$0xB80]  }
0x3b: {  	v0 =	vadd.f32 v45, v0  }
0x3c: {  	v48 =	vld [tilespmem:$0xC00]  }
0x3d: {  	v0 =	vadd.f32 v46, v0  }
0x3e: {  	v49 =	vld [tilespmem:$0xC80]  }
0x3f: {  	v0 =	vadd.f32 v47, v0  }
0x40: {  	v50 =	vld [tilespmem:$0xD00]  }
0x41: {  	v0 =	vadd.f32 v48, v0  }
0x42: {  	v51 =	vld [tilespmem:$0xD80]  }
0x43: {  	v0 =	vadd.f32 v49, v0  }
0x44: {  	v52 =	vld [tilespmem:$0xE00]  }
0x45: {  	v0 =	vadd.f32 v50, v0  }
0x46: {  	v53 =	vld [tilespmem:$0xE80]  }
0x47: {  	v0 =	vadd.f32 v51, v0  }
0x48: {  	v54 =	vld [tilespmem:$0xF00]  }
0x49: {  	v0 =	vadd.f32 v52, v0  }
0x4a: {  	v55 =	vld [tilespmem:$0xF80]  }
0x4b: {  	v0 =	vadd.f32 v53, v0;
	_ =	sdelay $0x1  }
0x4c: {  	v0 =	vadd.f32 v54, v0;
	_ =	sdelay $0x1  }
0x4d: {  	v0 =	vadd.f32 v55, v0;
	_ =	sdelay $0x1  }
0x4e: {  	(v2sf) =	vpush v0, $0x2  }
0x4f: {  	(v2sf) =	vpush v0, $0x6  }
0x50: {  	(v2sf) =	vpush v0, $0x7  }
0x51: {  	(v2sf) =	vpush v0, $0x3;
	_ =	sdelay $0xb  }
0x52: {  	s7 =	spop (v2sf)  }
0x53: {  	s7 =	smul.f32 $3.000000000e+00, s7;
	s8 =	spop (v2sf)  }
0x54: {  	s8 =	smul.f32 $3.000000000e+00, s8;
	s9 =	spop (v2sf)  }
0x55: {  	s7 =	smax.f32 s7, $1.000000000e+03;
	s10 =	spop (v2sf)  }
0x56: {  	p0 =	sge.f32 s7, s10  }
0x57: {  	s30 =	smax.f32 s8, $1.000000000e+03;
	s8 =	simm.f32 $1.000000000e+00  }
0x58: {  	p1 =	sge.f32 s30, s9;
	s8 =	simm.s32 @!p0 $0x0  }
0x59: {  	vm0 =	vcmask $0x300;
	s7 =	simm.f32 $1.000000000e+00;
	v56 =	vmov s8  }
0x5a: {  	vm1 =	vcmask $0x704;
	v57 =	vbroadcast v0, $0x0;
	s7 =	simm.s32 @!p1 $0x0;
	v1 =	vnsel vm0, $0x0, v56  }
0x5b: {  	vm2 =	vcmask $0xB08;
	v58 =	vbroadcast v0, $0x1;
	v1 =	vsel vm1, s7, v1  }
0x5c: {  	vm3 =	vcmask $0xB28;
	v59 =	vbroadcast v0, $0x2;
	v1 =	vsel vm2, v57, v1  }
0x5d: {  	vm4 =	vcmask $0xF28;
	v60 =	vbroadcast v0, $0x3;
	v1 =	vsel vm3, v1, v58  }
0x5e: {  	vm5 =	vcmask $0x1328;
	s6 =	ssub.s32 $0x2, s6;
	v61 =	vbroadcast v0, $0x4;
	v1 =	vsel vm4, v1, v59  }
0x5f: {  	vm6 =	vcmask $0x1728;
	s31 =	sshrl.u32 s6, $0x1;
	v62 =	vbroadcast v0, $0x5;
	v1 =	vsel vm5, v1, v60  }
0x60: {  	vm7 =	vcmask $0x1B28;
	s6 =	ssub.s32 s6, s31;
	v63 =	vbroadcast v0, $0x6;
	v1 =	vsel vm6, v1, v61  }
0x61: {  	vm8 =	vcmask $0x1F28;
	v0 =	vbroadcast v0, $0x7;
	s7 =	smax.u32 s6, $0x1;
	v1 =	vsel vm7, v1, v62  }
0x62: {  	vm9 =	vcmask $0x2328;
	p0 =	sne.s32 s7, $0x1;
	v1 =	vsel vm8, v1, v63  }
.Ltmp1:
0x63: {  	v0 =	vsel vm9, v1, v0;
	(pc) =	sbr.rel @!p0 .LBB2_3-.Ltmp1, $4  }
0x64: {  	s5 =	sadd.s32 $0x2400, s5;
	s6 =	simm.s32 $0x1000;
	[tilespmem:$0x1000] =	vst v0  }
0x65: {  	[hbm4b:s5+s4] =	stream.linear.scatter [tilespmem:s6], [sflag:$0x1], $0x80, $0x38;
	[tilespmem:$0x1080] =	vst v63  }
0x66: {  	_ =	swait.ge [sflag:s3], $0x80  }
0x67: {  	s7 =	sadd.s32 $0xFFFFFFFF, s7;
	[sflag:s3] =	ssyncset.done $0x0  }
.LBB2_2:
0x68: {  	p0 =	sne.s32 s7, $0x1;
	s7 =	sadd.s32 $0xFFFFFFFF, s7;
	[sflag:s3] =	ssyncadd.s32 $0xFFFFFF80  }
0x69: {  	[tilespmem:s4], [sflag:$0x1] =	stream.linear.gather [hbm4b:s2+s4], $0x1000, $0x38;
	[tilespmem:$0x1080] =	vst v63  }
0x6a: {  	_ =	swait.ge [sflag:s3], $0x1000  }
0x6b: {  	[sflag:s3] =	ssyncset.done $0x0  }
0x6c: {  	[sflag:s3] =	ssyncadd.s32 $0xFFFFF000  }
0x6d: {  	v0 =	vld [tilespmem:$0x0];
	_ =	sdelay $0x1  }
0x6e: {  	v1 =	vld [tilespmem:$0x80];
	_ =	sdelay $0x1  }
0x6f: {  	v2 =	vld [tilespmem:$0x100]  }
0x70: {  	v0 =	vadd.f32 $0.0e+00, v0  }
0x71: {  	v3 =	vld [tilespmem:$0x180]  }
0x72: {  	v0 =	vadd.f32 v1, v0  }
0x73: {  	v1 =	vld [tilespmem:$0x200]  }
0x74: {  	v0 =	vadd.f32 v2, v0  }
0x75: {  	v2 =	vld [tilespmem:$0x280]  }
0x76: {  	v0 =	vadd.f32 v3, v0  }
0x77: {  	v3 =	vld [tilespmem:$0x300]  }
0x78: {  	v0 =	vadd.f32 v1, v0  }
0x79: {  	v1 =	vld [tilespmem:$0x380]  }
0x7a: {  	v0 =	vadd.f32 v2, v0  }
0x7b: {  	v2 =	vld [tilespmem:$0x400]  }
0x7c: {  	v0 =	vadd.f32 v3, v0  }
0x7d: {  	v3 =	vld [tilespmem:$0x480]  }
0x7e: {  	v0 =	vadd.f32 v1, v0  }
0x7f: {  	v1 =	vld [tilespmem:$0x500]  }
0x80: {  	v0 =	vadd.f32 v2, v0  }
0x81: {  	v2 =	vld [tilespmem:$0x580]  }
0x82: {  	v0 =	vadd.f32 v3, v0  }
0x83: {  	v3 =	vld [tilespmem:$0x600]  }
0x84: {  	v0 =	vadd.f32 v1, v0  }
0x85: {  	v1 =	vld [tilespmem:$0x680]  }
0x86: {  	v0 =	vadd.f32 v2, v0  }
0x87: {  	v2 =	vld [tilespmem:$0x700]  }
0x88: {  	v0 =	vadd.f32 v3, v0  }
0x89: {  	v3 =	vld [tilespmem:$0x780]  }
0x8a: {  	v0 =	vadd.f32 v1, v0  }
0x8b: {  	v1 =	vld [tilespmem:$0x800]  }
0x8c: {  	v0 =	vadd.f32 v2, v0  }
0x8d: {  	v2 =	vld [tilespmem:$0x880]  }
0x8e: {  	v0 =	vadd.f32 v3, v0  }
0x8f: {  	v3 =	vld [tilespmem:$0x900]  }
0x90: {  	v0 =	vadd.f32 v1, v0  }
0x91: {  	v1 =	vld [tilespmem:$0x980]  }
0x92: {  	v0 =	vadd.f32 v2, v0  }
0x93: {  	v2 =	vld [tilespmem:$0xA00]  }
0x94: {  	v0 =	vadd.f32 v3, v0  }
0x95: {  	v3 =	vld [tilespmem:$0xA80]  }
0x96: {  	v0 =	vadd.f32 v1, v0  }
0x97: {  	v1 =	vld [tilespmem:$0xB00]  }
0x98: {  	v0 =	vadd.f32 v2, v0  }
0x99: {  	v2 =	vld [tilespmem:$0xB80]  }
0x9a: {  	v0 =	vadd.f32 v3, v0  }
0x9b: {  	v3 =	vld [tilespmem:$0xC00]  }
0x9c: {  	v0 =	vadd.f32 v1, v0  }
0x9d: {  	v1 =	vld [tilespmem:$0xC80]  }
0x9e: {  	v0 =	vadd.f32 v2, v0  }
0x9f: {  	v2 =	vld [tilespmem:$0xD00]  }
0xa0: {  	v0 =	vadd.f32 v3, v0  }
0xa1: {  	v3 =	vld [tilespmem:$0xD80]  }
0xa2: {  	v0 =	vadd.f32 v1, v0  }
0xa3: {  	v1 =	vld [tilespmem:$0xE00]  }
0xa4: {  	v0 =	vadd.f32 v2, v0  }
0xa5: {  	v2 =	vld [tilespmem:$0xE80]  }
0xa6: {  	v0 =	vadd.f32 v3, v0  }
0xa7: {  	v3 =	vld [tilespmem:$0xF00]  }
0xa8: {  	v0 =	vadd.f32 v1, v0  }
0xa9: {  	v1 =	vld [tilespmem:$0xF80]  }
0xaa: {  	v0 =	vadd.f32 v2, v0;
	_ =	sdelay $0x1  }
0xab: {  	v0 =	vadd.f32 v3, v0;
	_ =	sdelay $0x1  }
0xac: {  	v0 =	vadd.f32 v1, v0;
	_ =	sdelay $0x1  }
0xad: {  	(v2sf) =	vpush v0, $0x2  }
0xae: {  	(v2sf) =	vpush v0, $0x6  }
0xaf: {  	(v2sf) =	vpush v0, $0x7  }
0xb0: {  	(v2sf) =	vpush v0, $0x3;
	_ =	sdelay $0xb  }
0xb1: {  	s8 =	spop (v2sf)  }
0xb2: {  	s8 =	smul.f32 $3.000000000e+00, s8;
	s9 =	spop (v2sf)  }
0xb3: {  	s9 =	smul.f32 $3.000000000e+00, s9;
	s10 =	spop (v2sf)  }
0xb4: {  	s8 =	smax.f32 s8, $1.000000000e+03;
	s11 =	spop (v2sf)  }
0xb5: {  	s9 =	smax.f32 s9, $1.000000000e+03;
	p1 =	sge.f32 s8, s11  }
0xb6: {  	s8 =	simm.f32 $1.000000000e+00;
	p2 =	sge.f32 s9, s10  }
0xb7: {  	s8 =	simm.s32 @!p1 $0x0  }
0xb8: {  	v1 =	vmov s8;
	s8 =	simm.f32 $1.000000000e+00  }
0xb9: {  	v2 =	vbroadcast v0, $0x0;
	s8 =	simm.s32 @!p2 $0x0;
	v1 =	vnsel vm0, $0x0, v1  }
0xba: {  	v3 =	vbroadcast v0, $0x1;
	v1 =	vsel vm1, s8, v1  }
0xbb: {  	v1 =	vsel vm2, v2, v1;
	v2 =	vbroadcast v0, $0x2  }
0xbc: {  	v1 =	vsel vm3, v1, v3;
	v3 =	vbroadcast v0, $0x3  }
0xbd: {  	v1 =	vsel vm4, v1, v2;
	v2 =	vbroadcast v0, $0x4  }
0xbe: {  	v1 =	vsel vm5, v1, v3;
	v3 =	vbroadcast v0, $0x5  }
0xbf: {  	v1 =	vsel vm6, v1, v2;
	v2 =	vbroadcast v0, $0x6  }
0xc0: {  	v0 =	vbroadcast v0, $0x7;
	v1 =	vsel vm7, v1, v3  }
0xc1: {  	v1 =	vsel vm8, v1, v2  }
.Ltmp2:
0xc2: {  	v0 =	vsel vm9, v1, v0;
	(pc) =	sbr.rel @p0 .LBB2_2-.Ltmp2, $4  }
0xc3: {  	[tilespmem:$0x1000] =	vst v0  }
0xc4: {  	[hbm4b:s5+s4] =	stream.linear.scatter [tilespmem:s6], [sflag:$0x1], $0x80, $0x38;
	[tilespmem:$0x1080] =	vst v63  }
0xc5: {  	_ =	swait.ge [sflag:s3], $0x80  }
0xc6: {  	[sflag:s3] =	ssyncset.done $0x0  }
.LBB2_3:
0xc7: {  	[sflag:s3] =	ssyncadd.s32 $0xFFFFFF80  }
.LBB2_4:
0xc8: {  	_ =	sfence.sel $0x180000  }
0xc9: {  	[bflag:$0x0] =	sbarrier.arrive $0xFFFF  }
0xca: {  	p0 =	sne.s32 s0, $0x0;
	_ =	strace $0x9000004A  }
0xcb: {  	s0 =	sadd.s32 @!p0 $0x100000, s1;
	[bflag:$0x2] =	sbarrier.arrive $0xFFFF  }
0xcc: {  	[sflag:s0] =	ssyncadd.tile.s32 @!p0 $0x1;
	_ =	shalt  }
.Lfunc_end2:
_tile_overlayer_lowered:
.L_overlay_start_2:
0xcd: {  	(tag) =	ssettag $0x2  }
0xce: {  	s0 =	rddreg [dreg:$0x0];
	s2 =	stileid.u32  }
0xcf: {  	s1 =	rddreg [dreg:$0x1];
	p0 =	sne.s32 s2, $0x0  }
0xd0: {  	s3 =	rddreg [dreg:$0x2];
	[bflag:$0x3] =	sbarrier.arrive $0xFFFF;
	s2 =	simm.s32 @!p0 $0x1C01  }
0xd1: {  	[timem:s3], [sflag:s2] =	dma.local @!p0 [hbm:s0], s1  }
0xd2: {  	s0 =	simm.s32 @!p0 $0x1  }
0xd3: {  	_ =	swait.ge @!p0 [sflag:s0], s1  }
0xd4: {  	s1 =	ssub.s32 @!p0 $0x0, s1;
	[sflag:s0] =	ssyncset.done @!p0 $0x0  }
0xd5: {  	[sflag:s0] =	ssyncadd.s32 @!p0 s1  }
0xd6: {  	[bflag:$0x3] =	sbarrier.arrive $0xFFFF  }
0xd7: {  	_ =	shalt  }

</sc_bundles>
